<compile_context>
chip_gen: v7x
topology: tpu7x:2x2x1
jax: 0.10.2.dev20260603
libtpu: 0.0.44.dev20260713+nightly
codegen_flags: <defaults>
</compile_context>

<pallas_src>
import functools

import jax
import jax.numpy as jnp
from jax import lax
from jax.experimental import pallas as pl
from jax.experimental.pallas import tpu as pltpu
from jax.experimental.pallas import tpu_sc as plsc

_PERM_DNUMS = lax.GatherDimensionNumbers(
    offset_dims=(), collapsed_slice_dims=(0,), start_index_map=(0,))


def _permute(v, idx):
    return lax.gather(v, idx[:, None], _PERM_DNUMS, slice_sizes=(1,),
                      mode=lax.GatherScatterMode.PROMISE_IN_BOUNDS)


H = 128
LANES = 16
NC = 2
NS = 16
NW = NC * NS
CHUNK = 128


@functools.lru_cache(maxsize=None)
def _build(batch: int):
    assert batch % (NW * CHUNK) == 0
    kpw = batch // (NW * CHUNK)
    ppw = kpw * CHUNK
    mesh = plsc.VectorSubcoreMesh(core_axis_name="c", subcore_axis_name="s")

    @functools.partial(
        pl.kernel,
        mesh=mesh,
        out_type=jax.ShapeDtypeStruct((batch,), jnp.float32),
        scratch_types=[
            pltpu.VMEM((kpw, CHUNK), jnp.int32),
            pltpu.VMEM((kpw, CHUNK), jnp.int32),
            pltpu.VMEM((3, CHUNK, H), jnp.float32),
            pltpu.VMEM((3, CHUNK, H), jnp.float32),
            pltpu.VMEM((ppw,), jnp.float32),
            pltpu.SemaphoreType.DMA,
            pltpu.SemaphoreType.DMA,
            pltpu.SemaphoreType.DMA,
            pltpu.SemaphoreType.DMA,
        ],
    )
    def sc_kernel(idxb_hbm, drug_hbm, cmpd_hbm, out_hbm,
                  idx0_v, idx1_v, drows_v, crows_v, out_v,
                  sem0, sem1, sem2, sem_out):
        wid = lax.axis_index("s") * NC + lax.axis_index("c")
        sems = (sem0, sem1, sem2)
        out_cps = []
        lane = lax.broadcasted_iota(jnp.int32, (LANES,), 0)
        _P8 = jnp.bitwise_xor(lane, 8)
        _P4 = jnp.bitwise_xor(lane, 4)
        _P2 = jnp.bitwise_xor(lane, 2)
        _P1 = jnp.bitwise_xor(lane, 1)

        plan = [(0, 32, 0, 0, 0), (32, 96, 0, 32, 1)]
        off = CHUNK
        row = 1
        buf = 2
        while off < ppw:
            plan.append((off, CHUNK, row, 0, buf))
            off += CHUNK
            row += 1
            buf = (buf + 1) % 3

        cpi0 = pltpu.async_copy(idxb_hbm.at[0, pl.ds(wid * kpw, kpw)],
                                idx0_v, sem0)
        cpi1 = pltpu.async_copy(idxb_hbm.at[1, pl.ds(wid * kpw, kpw)],
                                idx1_v, sem1)
        cpi0.wait()
        cpi1.wait()

        def start_gathers(c):
            off, size, row, col, buf = plan[c]
            sem = sems[buf]
            cp_d = pltpu.async_copy(
                drug_hbm.at[idx0_v.at[row, pl.ds(col, size)]],
                drows_v.at[buf, pl.ds(0, size)], sem)
            cp_c = pltpu.async_copy(
                cmpd_hbm.at[idx1_v.at[row, pl.ds(col, size)]],
                crows_v.at[buf, pl.ds(0, size)], sem)
            return cp_d, cp_c

        pending = {0: start_gathers(0), 1: start_gathers(1)}

        nchunks = len(plan)
        if nchunks > 2:
            pending[2] = start_gathers(2)

        for c in range(nchunks):
            pending[c][0].wait()
            pending[c][1].wait()
            off, size, _, _, buf = plan[c]

            def group_body(g, carry, off=off, buf=buf):
                def pair_body(t, vec):
                    b = g * LANES + t
                    acc = (drows_v[buf, b, pl.ds(0, LANES)]
                           * crows_v[buf, b, pl.ds(0, LANES)])
                    for i in range(1, H // LANES):
                        acc = acc + (drows_v[buf, b, pl.ds(i * LANES, LANES)]
                                     * crows_v[buf, b, pl.ds(i * LANES, LANES)])
                    for p in (_P8, _P4, _P2, _P1):
                        acc = acc + _permute(acc, p)
                    return jnp.where(lane == t, acc, vec)

                vec = lax.fori_loop(0, LANES, pair_body,
                                    jnp.zeros((LANES,), jnp.float32))
                out_v[pl.ds(off + g * LANES, LANES)] = vec
                return carry

            lax.fori_loop(0, size // LANES, group_body, 0)

            if c + 3 < nchunks:
                pending[c + 3] = start_gathers(c + 3)

            out_cps.append(pltpu.async_copy(
                out_v.at[pl.ds(off, size)],
                out_hbm.at[pl.ds(wid * ppw + off, size)], sem_out))

        for cp in out_cps:
            cp.wait()

    return sc_kernel


def kernel(inputs, drug_table, cmpd_table):
    batch = inputs.shape[0]
    idx = inputs.astype(jnp.int32)
    idxb = idx.T.reshape(2, batch // CHUNK, CHUNK)
    out = _build(batch)(idxb, drug_table, cmpd_table)
    return out.reshape(batch, 1, 1)

# --- scband reference (transcript-rebuilt; emitter-appended) ---
"""Pipeline reference for scband-matrix-est-57148834841203 (READ-ONLY COPY).

The authoritative reference and input builder live on the scoring server;
editing this copy changes nothing except your own understanding.
"""

import jax, jax.numpy as jnp
import numpy as np

DRUG_SIZE = 1000000
CMPD_SIZE = 100000
HIDDEN = 128
BATCH = 16384

def setup_inputs(seed: int = 0) -> dict:
    key = jax.random.key(seed)
    k1, k2, k3 = jax.random.split(key, 3)
    inputs = jax.random.randint(k1, (BATCH, 2), 0, CMPD_SIZE, dtype=jnp.int64 if jax.config.read('jax_enable_x64') else jnp.int32)
    lol_d = 1.0 / DRUG_SIZE
    drug_table = jax.random.uniform(k2, (DRUG_SIZE, HIDDEN), minval=-lol_d, maxval=lol_d, dtype=jnp.float32)
    lol_c = 1.0 / CMPD_SIZE
    cmpd_table = jax.random.uniform(k3, (CMPD_SIZE, HIDDEN), minval=-lol_c, maxval=lol_c, dtype=jnp.float32)
    return {"inputs": inputs, "drug_table": drug_table, "cmpd_table": cmpd_table}

def reference(inputs, drug_table, cmpd_table):
    # drug = self.drug(inputs[:, 0]).unsqueeze(2)  -> [B, H, 1]
    drug = jnp.take(drug_table, inputs[:, 0], axis=0)[:, :, None]
    # cmpd = self.cmpd(inputs[:, 1]).unsqueeze(2).permute(0, 2, 1) -> [B, 1, H]
    cmpd = jnp.take(cmpd_table, inputs[:, 1], axis=0)[:, None, :]
    # torch.bmm(cmpd, drug) -> [B, 1, 1]
    out = jnp.matmul(cmpd, drug)
    return out

if __name__ == "__main__":
    import jax
    _d = setup_inputs()
    print(jax.jit(kernel)(*tuple(_d.values())))

</pallas_src>

<mosaic_0001>
#map = affine_map<(d0, d1) -> (0, 0, 0)>
#map1 = affine_map<(d0, d1) -> (0, 0)>
#map2 = affine_map<(d0, d1) -> (0)>
module attributes {stable_mosaic.version = 14 : i64} {
  func.func @sc_kernel(%arg0: i32, %arg1: i32, %arg2: memref<2x128x128xi32, #tpu.memory_space<hbm>>, %arg3: memref<1000000x128xf32, #tpu.memory_space<hbm>>, %arg4: memref<100000x128xf32, #tpu.memory_space<hbm>>, %arg5: memref<16384xf32, #tpu.memory_space<hbm>>, %arg6: memref<4x128xi32, #tpu.memory_space<vmem>>, %arg7: memref<4x128xi32, #tpu.memory_space<vmem>>, %arg8: memref<3x128x128xf32, #tpu.memory_space<vmem>>, %arg9: memref<3x128x128xf32, #tpu.memory_space<vmem>>, %arg10: memref<512xf32, #tpu.memory_space<vmem>>, %arg11: memref<!tpu.dma_semaphore, #tpu.memory_space<semaphore_mem>>, %arg12: memref<!tpu.dma_semaphore, #tpu.memory_space<semaphore_mem>>, %arg13: memref<!tpu.dma_semaphore, #tpu.memory_space<semaphore_mem>>, %arg14: memref<!tpu.dma_semaphore, #tpu.memory_space<semaphore_mem>>) attributes {dimension_semantics = [#tpu.dimension_semantics<core_parallel>, #tpu.dimension_semantics<subcore_parallel>], iteration_bounds = array<i64: 2, 16>, scalar_prefetch = 0 : i64, scratch_operands = 9 : i64, tpu.core_type = #tpu.core_type<sc_vector_subcore>, window_params = [{transform_indices = #map}, {transform_indices = #map1}, {transform_indices = #map1}, {transform_indices = #map2}]} {
    %mul3A = arith.constant 2 : i32
    %mul3A_0 = arith.muli %arg1, %mul3A : i32
    %add3A = arith.addi %mul3A_0, %arg0 : i32
    %iota3A = tpu.iota {dimensions = array<i32: 0>} : vector<16xi32>
    %xor3A = arith.constant 8 : i32
    %xor3A_1 = vector.broadcast %xor3A : i32 to vector<16xi32>
    %xor3A_2 = arith.xori %iota3A, %xor3A_1 : vector<16xi32>
    %xor3A_3 = arith.constant 4 : i32
    %xor3A_4 = vector.broadcast %xor3A_3 : i32 to vector<16xi32>
    %xor3A_5 = arith.xori %iota3A, %xor3A_4 : vector<16xi32>
    %xor3A_6 = arith.constant 2 : i32
    %xor3A_7 = vector.broadcast %xor3A_6 : i32 to vector<16xi32>
    %xor3A_8 = arith.xori %iota3A, %xor3A_7 : vector<16xi32>
    %xor3A_9 = arith.constant 1 : i32
    %xor3A_10 = vector.broadcast %xor3A_9 : i32 to vector<16xi32>
    %xor3A_11 = arith.xori %iota3A, %xor3A_10 : vector<16xi32>
    %mul3A_12 = arith.constant 4 : i32
    %mul3A_13 = arith.muli %add3A, %mul3A_12 : i32
    %dma_start3A = arith.constant 0 : i32
    %dma_start3A_14 = arith.constant 0 : i32
    %dma_start3A_15 = tpu.memref_slice %arg2[%dma_start3A, %mul3A_13, %dma_start3A_14] : memref<2x128x128xi32, #tpu.memory_space<hbm>> -> memref<1x4x128xi32, #tpu.memory_space<hbm>>
    %dma_start3A_16 = tpu.memref_squeeze %dma_start3A_15 : memref<1x4x128xi32, #tpu.memory_space<hbm>> -> memref<4x128xi32, #tpu.memory_space<hbm>>
    %dma_start3A_17 = arith.constant 0 : i32
    %dma_start3A_18 = tpu.memref_slice %arg2[%dma_start3A, %mul3A_13, %dma_start3A_17] : memref<2x128x128xi32, #tpu.memory_space<hbm>> -> memref<1x4x128xi32, #tpu.memory_space<hbm>>
    %dma_start3A_19 = tpu.memref_squeeze %dma_start3A_18 : memref<1x4x128xi32, #tpu.memory_space<hbm>> -> memref<4x128xi32, #tpu.memory_space<hbm>>
    tpu.enqueue_dma source(%dma_start3A_19 : memref<4x128xi32, #tpu.memory_space<hbm>>) target(%arg6 : memref<4x128xi32, #tpu.memory_space<vmem>>) target_semaphore(%arg11 : memref<!tpu.dma_semaphore, #tpu.memory_space<semaphore_mem>>)
    %mul3A_20 = arith.constant 4 : i32
    %mul3A_21 = arith.muli %add3A, %mul3A_20 : i32
    %dma_start3A_22 = arith.constant 1 : i32
    %dma_start3A_23 = arith.constant 0 : i32
    %dma_start3A_24 = tpu.memref_slice %arg2[%dma_start3A_22, %mul3A_21, %dma_start3A_23] : memref<2x128x128xi32, #tpu.memory_space<hbm>> -> memref<1x4x128xi32, #tpu.memory_space<hbm>>
    %dma_start3A_25 = tpu.memref_squeeze %dma_start3A_24 : memref<1x4x128xi32, #tpu.memory_space<hbm>> -> memref<4x128xi32, #tpu.memory_space<hbm>>
    %dma_start3A_26 = arith.constant 0 : i32
    %dma_start3A_27 = tpu.memref_slice %arg2[%dma_start3A_22, %mul3A_21, %dma_start3A_26] : memref<2x128x128xi32, #tpu.memory_space<hbm>> -> memref<1x4x128xi32, #tpu.memory_space<hbm>>
    %dma_start3A_28 = tpu.memref_squeeze %dma_start3A_27 : memref<1x4x128xi32, #tpu.memory_space<hbm>> -> memref<4x128xi32, #tpu.memory_space<hbm>>
    tpu.enqueue_dma source(%dma_start3A_28 : memref<4x128xi32, #tpu.memory_space<hbm>>) target(%arg7 : memref<4x128xi32, #tpu.memory_space<vmem>>) target_semaphore(%arg12 : memref<!tpu.dma_semaphore, #tpu.memory_space<semaphore_mem>>)
    %dma_wait3A = arith.constant 0 : i32
    %dma_wait3A_29 = arith.constant 0 : i32
    %dma_wait3A_30 = tpu.memref_slice %arg2[%dma_wait3A, %mul3A_13, %dma_wait3A_29] : memref<2x128x128xi32, #tpu.memory_space<hbm>> -> memref<1x4x128xi32, #tpu.memory_space<hbm>>
    %dma_wait3A_31 = tpu.memref_squeeze %dma_wait3A_30 : memref<1x4x128xi32, #tpu.memory_space<hbm>> -> memref<4x128xi32, #tpu.memory_space<hbm>>
    %dma_wait3A_32 = arith.constant 0 : i32
    %dma_wait3A_33 = tpu.memref_slice %arg2[%dma_wait3A, %mul3A_13, %dma_wait3A_32] : memref<2x128x128xi32, #tpu.memory_space<hbm>> -> memref<1x4x128xi32, #tpu.memory_space<hbm>>
    %dma_wait3A_34 = tpu.memref_squeeze %dma_wait3A_33 : memref<1x4x128xi32, #tpu.memory_space<hbm>> -> memref<4x128xi32, #tpu.memory_space<hbm>>
    tpu.wait_dma2 semaphore(%arg11 : memref<!tpu.dma_semaphore, #tpu.memory_space<semaphore_mem>>) src(%dma_wait3A_34 : memref<4x128xi32, #tpu.memory_space<hbm>>) dst(%arg6 : memref<4x128xi32, #tpu.memory_space<vmem>>)
    %dma_wait3A_35 = arith.constant 1 : i32
    %dma_wait3A_36 = arith.constant 0 : i32
    %dma_wait3A_37 = tpu.memref_slice %arg2[%dma_wait3A_35, %mul3A_21, %dma_wait3A_36] : memref<2x128x128xi32, #tpu.memory_space<hbm>> -> memref<1x4x128xi32, #tpu.memory_space<hbm>>
    %dma_wait3A_38 = tpu.memref_squeeze %dma_wait3A_37 : memref<1x4x128xi32, #tpu.memory_space<hbm>> -> memref<4x128xi32, #tpu.memory_space<hbm>>
    %dma_wait3A_39 = arith.constant 0 : i32
    %dma_wait3A_40 = tpu.memref_slice %arg2[%dma_wait3A_35, %mul3A_21, %dma_wait3A_39] : memref<2x128x128xi32, #tpu.memory_space<hbm>> -> memref<1x4x128xi32, #tpu.memory_space<hbm>>
    %dma_wait3A_41 = tpu.memref_squeeze %dma_wait3A_40 : memref<1x4x128xi32, #tpu.memory_space<hbm>> -> memref<4x128xi32, #tpu.memory_space<hbm>>
    tpu.wait_dma2 semaphore(%arg12 : memref<!tpu.dma_semaphore, #tpu.memory_space<semaphore_mem>>) src(%dma_wait3A_41 : memref<4x128xi32, #tpu.memory_space<hbm>>) dst(%arg7 : memref<4x128xi32, #tpu.memory_space<vmem>>)
    %dma_start3A_42 = arith.constant 0 : i32
    %dma_start3A_43 = arith.constant 0 : i32
    %dma_start3A_44 = arith.constant 0 : i32
    %dma_start3A_45 = arith.constant 0 : i32
    %dma_start3A_46 = tpu.memref_slice %arg8[%dma_start3A_43, %dma_start3A_44, %dma_start3A_45] : memref<3x128x128xf32, #tpu.memory_space<vmem>> -> memref<1x32x128xf32, #tpu.memory_space<vmem>>
    %dma_start3A_47 = tpu.memref_squeeze %dma_start3A_46 : memref<1x32x128xf32, #tpu.memory_space<vmem>> -> memref<32x128xf32, #tpu.memory_space<vmem>>
    %dma_start3A_48 = arith.constant 0 : i32
    %dma_start3A_49 = tpu.memref_slice %arg6[%dma_start3A_42, %dma_start3A_48] : memref<4x128xi32, #tpu.memory_space<vmem>> -> memref<1x32xi32, #tpu.memory_space<vmem>>
    %dma_start3A_50 = tpu.memref_squeeze %dma_start3A_49 : memref<1x32xi32, #tpu.memory_space<vmem>> -> memref<32xi32, #tpu.memory_space<vmem>>
    %dma_start3A_51 = arith.constant 0 : i32
    %dma_start3A_52 = arith.constant 0 : i32
    %dma_start3A_53 = tpu.memref_slice %arg3[%dma_start3A_51, %dma_start3A_52] : memref<1000000x128xf32, #tpu.memory_space<hbm>> -> memref<1000000x128xf32, #tpu.memory_space<hbm>>
    tpu.enqueue_indirect_dma source(%dma_start3A_53 : memref<1000000x128xf32, #tpu.memory_space<hbm>>) target(%dma_start3A_47 : memref<32x128xf32, #tpu.memory_space<vmem>>) offsets(%dma_start3A_50 : memref<32xi32, #tpu.memory_space<vmem>>) semaphore(%arg11 : memref<!tpu.dma_semaphore, #tpu.memory_space<semaphore_mem>>)
    %dma_start3A_54 = arith.constant 0 : i32
    %dma_start3A_55 = arith.constant 0 : i32
    %dma_start3A_56 = arith.constant 0 : i32
    %dma_start3A_57 = arith.constant 0 : i32
    %dma_start3A_58 = tpu.memref_slice %arg9[%dma_start3A_55, %dma_start3A_56, %dma_start3A_57] : memref<3x128x128xf32, #tpu.memory_space<vmem>> -> memref<1x32x128xf32, #tpu.memory_space<vmem>>
    %dma_start3A_59 = tpu.memref_squeeze %dma_start3A_58 : memref<1x32x128xf32, #tpu.memory_space<vmem>> -> memref<32x128xf32, #tpu.memory_space<vmem>>
    %dma_start3A_60 = arith.constant 0 : i32
    %dma_start3A_61 = tpu.memref_slice %arg7[%dma_start3A_54, %dma_start3A_60] : memref<4x128xi32, #tpu.memory_space<vmem>> -> memref<1x32xi32, #tpu.memory_space<vmem>>
    %dma_start3A_62 = tpu.memref_squeeze %dma_start3A_61 : memref<1x32xi32, #tpu.memory_space<vmem>> -> memref<32xi32, #tpu.memory_space<vmem>>
    %dma_start3A_63 = arith.constant 0 : i32
    %dma_start3A_64 = arith.constant 0 : i32
    %dma_start3A_65 = tpu.memref_slice %arg4[%dma_start3A_63, %dma_start3A_64] : memref<100000x128xf32, #tpu.memory_space<hbm>> -> memref<100000x128xf32, #tpu.memory_space<hbm>>
    tpu.enqueue_indirect_dma source(%dma_start3A_65 : memref<100000x128xf32, #tpu.memory_space<hbm>>) target(%dma_start3A_59 : memref<32x128xf32, #tpu.memory_space<vmem>>) offsets(%dma_start3A_62 : memref<32xi32, #tpu.memory_space<vmem>>) semaphore(%arg11 : memref<!tpu.dma_semaphore, #tpu.memory_space<semaphore_mem>>)
    %dma_start3A_66 = arith.constant 0 : i32
    %dma_start3A_67 = arith.constant 1 : i32
    %dma_start3A_68 = arith.constant 0 : i32
    %dma_start3A_69 = arith.constant 0 : i32
    %dma_start3A_70 = tpu.memref_slice %arg8[%dma_start3A_67, %dma_start3A_68, %dma_start3A_69] : memref<3x128x128xf32, #tpu.memory_space<vmem>> -> memref<1x96x128xf32, #tpu.memory_space<vmem>>
    %dma_start3A_71 = tpu.memref_squeeze %dma_start3A_70 : memref<1x96x128xf32, #tpu.memory_space<vmem>> -> memref<96x128xf32, #tpu.memory_space<vmem>>
    %dma_start3A_72 = arith.constant 32 : i32
    %dma_start3A_73 = tpu.memref_slice %arg6[%dma_start3A_66, %dma_start3A_72] : memref<4x128xi32, #tpu.memory_space<vmem>> -> memref<1x96xi32, #tpu.memory_space<vmem>>
    %dma_start3A_74 = tpu.memref_squeeze %dma_start3A_73 : memref<1x96xi32, #tpu.memory_space<vmem>> -> memref<96xi32, #tpu.memory_space<vmem>>
    %dma_start3A_75 = arith.constant 0 : i32
    %dma_start3A_76 = arith.constant 0 : i32
    %dma_start3A_77 = tpu.memref_slice %arg3[%dma_start3A_75, %dma_start3A_76] : memref<1000000x128xf32, #tpu.memory_space<hbm>> -> memref<1000000x128xf32, #tpu.memory_space<hbm>>
    tpu.enqueue_indirect_dma source(%dma_start3A_77 : memref<1000000x128xf32, #tpu.memory_space<hbm>>) target(%dma_start3A_71 : memref<96x128xf32, #tpu.memory_space<vmem>>) offsets(%dma_start3A_74 : memref<96xi32, #tpu.memory_space<vmem>>) semaphore(%arg12 : memref<!tpu.dma_semaphore, #tpu.memory_space<semaphore_mem>>)
    %dma_start3A_78 = arith.constant 0 : i32
    %dma_start3A_79 = arith.constant 1 : i32
    %dma_start3A_80 = arith.constant 0 : i32
    %dma_start3A_81 = arith.constant 0 : i32
    %dma_start3A_82 = tpu.memref_slice %arg9[%dma_start3A_79, %dma_start3A_80, %dma_start3A_81] : memref<3x128x128xf32, #tpu.memory_space<vmem>> -> memref<1x96x128xf32, #tpu.memory_space<vmem>>
    %dma_start3A_83 = tpu.memref_squeeze %dma_start3A_82 : memref<1x96x128xf32, #tpu.memory_space<vmem>> -> memref<96x128xf32, #tpu.memory_space<vmem>>
    %dma_start3A_84 = arith.constant 32 : i32
    %dma_start3A_85 = tpu.memref_slice %arg7[%dma_start3A_78, %dma_start3A_84] : memref<4x128xi32, #tpu.memory_space<vmem>> -> memref<1x96xi32, #tpu.memory_space<vmem>>
    %dma_start3A_86 = tpu.memref_squeeze %dma_start3A_85 : memref<1x96xi32, #tpu.memory_space<vmem>> -> memref<96xi32, #tpu.memory_space<vmem>>
    %dma_start3A_87 = arith.constant 0 : i32
    %dma_start3A_88 = arith.constant 0 : i32
    %dma_start3A_89 = tpu.memref_slice %arg4[%dma_start3A_87, %dma_start3A_88] : memref<100000x128xf32, #tpu.memory_space<hbm>> -> memref<100000x128xf32, #tpu.memory_space<hbm>>
    tpu.enqueue_indirect_dma source(%dma_start3A_89 : memref<100000x128xf32, #tpu.memory_space<hbm>>) target(%dma_start3A_83 : memref<96x128xf32, #tpu.memory_space<vmem>>) offsets(%dma_start3A_86 : memref<96xi32, #tpu.memory_space<vmem>>) semaphore(%arg12 : memref<!tpu.dma_semaphore, #tpu.memory_space<semaphore_mem>>)
    %dma_start3A_90 = arith.constant 1 : i32
    %dma_start3A_91 = arith.constant 2 : i32
    %dma_start3A_92 = arith.constant 0 : i32
    %dma_start3A_93 = arith.constant 0 : i32
    %dma_start3A_94 = tpu.memref_slice %arg8[%dma_start3A_91, %dma_start3A_92, %dma_start3A_93] : memref<3x128x128xf32, #tpu.memory_space<vmem>> -> memref<1x128x128xf32, #tpu.memory_space<vmem>>
    %dma_start3A_95 = tpu.memref_squeeze %dma_start3A_94 : memref<1x128x128xf32, #tpu.memory_space<vmem>> -> memref<128x128xf32, #tpu.memory_space<vmem>>
    %dma_start3A_96 = arith.constant 0 : i32
    %dma_start3A_97 = tpu.memref_slice %arg6[%dma_start3A_90, %dma_start3A_96] : memref<4x128xi32, #tpu.memory_space<vmem>> -> memref<1x128xi32, #tpu.memory_space<vmem>>
    %dma_start3A_98 = tpu.memref_squeeze %dma_start3A_97 : memref<1x128xi32, #tpu.memory_space<vmem>> -> memref<128xi32, #tpu.memory_space<vmem>>
    %dma_start3A_99 = arith.constant 0 : i32
    %dma_start3A_100 = arith.constant 0 : i32
    %dma_start3A_101 = tpu.memref_slice %arg3[%dma_start3A_99, %dma_start3A_100] : memref<1000000x128xf32, #tpu.memory_space<hbm>> -> memref<1000000x128xf32, #tpu.memory_space<hbm>>
    tpu.enqueue_indirect_dma source(%dma_start3A_101 : memref<1000000x128xf32, #tpu.memory_space<hbm>>) target(%dma_start3A_95 : memref<128x128xf32, #tpu.memory_space<vmem>>) offsets(%dma_start3A_98 : memref<128xi32, #tpu.memory_space<vmem>>) semaphore(%arg13 : memref<!tpu.dma_semaphore, #tpu.memory_space<semaphore_mem>>)
    %dma_start3A_102 = arith.constant 1 : i32
    %dma_start3A_103 = arith.constant 2 : i32
    %dma_start3A_104 = arith.constant 0 : i32
    %dma_start3A_105 = arith.constant 0 : i32
    %dma_start3A_106 = tpu.memref_slice %arg9[%dma_start3A_103, %dma_start3A_104, %dma_start3A_105] : memref<3x128x128xf32, #tpu.memory_space<vmem>> -> memref<1x128x128xf32, #tpu.memory_space<vmem>>
    %dma_start3A_107 = tpu.memref_squeeze %dma_start3A_106 : memref<1x128x128xf32, #tpu.memory_space<vmem>> -> memref<128x128xf32, #tpu.memory_space<vmem>>
    %dma_start3A_108 = arith.constant 0 : i32
    %dma_start3A_109 = tpu.memref_slice %arg7[%dma_start3A_102, %dma_start3A_108] : memref<4x128xi32, #tpu.memory_space<vmem>> -> memref<1x128xi32, #tpu.memory_space<vmem>>
    %dma_start3A_110 = tpu.memref_squeeze %dma_start3A_109 : memref<1x128xi32, #tpu.memory_space<vmem>> -> memref<128xi32, #tpu.memory_space<vmem>>
    %dma_start3A_111 = arith.constant 0 : i32
    %dma_start3A_112 = arith.constant 0 : i32
    %dma_start3A_113 = tpu.memref_slice %arg4[%dma_start3A_111, %dma_start3A_112] : memref<100000x128xf32, #tpu.memory_space<hbm>> -> memref<100000x128xf32, #tpu.memory_space<hbm>>
    tpu.enqueue_indirect_dma source(%dma_start3A_113 : memref<100000x128xf32, #tpu.memory_space<hbm>>) target(%dma_start3A_107 : memref<128x128xf32, #tpu.memory_space<vmem>>) offsets(%dma_start3A_110 : memref<128xi32, #tpu.memory_space<vmem>>) semaphore(%arg13 : memref<!tpu.dma_semaphore, #tpu.memory_space<semaphore_mem>>)
    %dma_wait3A_114 = arith.constant 0 : i32
    %dma_wait3A_115 = arith.constant 0 : i32
    %dma_wait3A_116 = arith.constant 0 : i32
    %dma_wait3A_117 = arith.constant 0 : i32
    %dma_wait3A_118 = tpu.memref_slice %arg8[%dma_wait3A_115, %dma_wait3A_116, %dma_wait3A_117] : memref<3x128x128xf32, #tpu.memory_space<vmem>> -> memref<1x32x128xf32, #tpu.memory_space<vmem>>
    %dma_wait3A_119 = tpu.memref_squeeze %dma_wait3A_118 : memref<1x32x128xf32, #tpu.memory_space<vmem>> -> memref<32x128xf32, #tpu.memory_space<vmem>>
    %dma_wait3A_120 = arith.constant 0 : i32
    %dma_wait3A_121 = tpu.memref_slice %arg6[%dma_wait3A_114, %dma_wait3A_120] : memref<4x128xi32, #tpu.memory_space<vmem>> -> memref<1x32xi32, #tpu.memory_space<vmem>>
    %dma_wait3A_122 = tpu.memref_squeeze %dma_wait3A_121 : memref<1x32xi32, #tpu.memory_space<vmem>> -> memref<32xi32, #tpu.memory_space<vmem>>
    %dma_wait3A_123 = arith.constant 0 : i32
    %dma_wait3A_124 = arith.constant 0 : i32
    %dma_wait3A_125 = tpu.memref_slice %arg3[%dma_wait3A_123, %dma_wait3A_124] : memref<1000000x128xf32, #tpu.memory_space<hbm>> -> memref<1000000x128xf32, #tpu.memory_space<hbm>>
    tpu.wait_indirect_dma semaphore(%arg11 : memref<!tpu.dma_semaphore, #tpu.memory_space<semaphore_mem>>) src(%dma_wait3A_125 : memref<1000000x128xf32, #tpu.memory_space<hbm>>) dst(%dma_wait3A_119 : memref<32x128xf32, #tpu.memory_space<vmem>>)
    %dma_wait3A_126 = arith.constant 0 : i32
    %dma_wait3A_127 = arith.constant 0 : i32
    %dma_wait3A_128 = arith.constant 0 : i32
    %dma_wait3A_129 = arith.constant 0 : i32
    %dma_wait3A_130 = tpu.memref_slice %arg9[%dma_wait3A_127, %dma_wait3A_128, %dma_wait3A_129] : memref<3x128x128xf32, #tpu.memory_space<vmem>> -> memref<1x32x128xf32, #tpu.memory_space<vmem>>
    %dma_wait3A_131 = tpu.memref_squeeze %dma_wait3A_130 : memref<1x32x128xf32, #tpu.memory_space<vmem>> -> memref<32x128xf32, #tpu.memory_space<vmem>>
    %dma_wait3A_132 = arith.constant 0 : i32
    %dma_wait3A_133 = tpu.memref_slice %arg7[%dma_wait3A_126, %dma_wait3A_132] : memref<4x128xi32, #tpu.memory_space<vmem>> -> memref<1x32xi32, #tpu.memory_space<vmem>>
    %dma_wait3A_134 = tpu.memref_squeeze %dma_wait3A_133 : memref<1x32xi32, #tpu.memory_space<vmem>> -> memref<32xi32, #tpu.memory_space<vmem>>
    %dma_wait3A_135 = arith.constant 0 : i32
    %dma_wait3A_136 = arith.constant 0 : i32
    %dma_wait3A_137 = tpu.memref_slice %arg4[%dma_wait3A_135, %dma_wait3A_136] : memref<100000x128xf32, #tpu.memory_space<hbm>> -> memref<100000x128xf32, #tpu.memory_space<hbm>>
    tpu.wait_indirect_dma semaphore(%arg11 : memref<!tpu.dma_semaphore, #tpu.memory_space<semaphore_mem>>) src(%dma_wait3A_137 : memref<100000x128xf32, #tpu.memory_space<hbm>>) dst(%dma_wait3A_131 : memref<32x128xf32, #tpu.memory_space<vmem>>)
    %scan3A = arith.constant 0 : i32
    %scan3A_138 = arith.constant 0 : i32
    %scan3A_139 = arith.constant 2 : i32
    %scan3A_140 = arith.addi %scan3A_138, %scan3A_139 : i32
    %scan3A_141 = arith.constant 1 : i32
    scf.for %scan3A_391 = %scan3A_138 to %scan3A_140 step %scan3A_141  : i32 {
      %broadcast_in_dim3A = arith.constant 0.000000e+00 : f32
      %broadcast_in_dim3A_392 = vector.broadcast %broadcast_in_dim3A : f32 to vector<16xf32>
      %scan3A_393 = arith.constant 0 : i32
      %scan3A_394 = arith.constant 16 : i32
      %scan3A_395 = arith.addi %scan3A_393, %scan3A_394 : i32
      %scan3A_396 = arith.constant 1 : i32
      %scan3A_397 = scf.for %scan3A_406 = %scan3A_393 to %scan3A_395 step %scan3A_396 iter_args(%scan3A_407 = %broadcast_in_dim3A_392) -> (vector<16xf32>)  : i32 {
        %mul3A_408 = arith.constant 16 : i32
        %mul3A_409 = arith.muli %scan3A_391, %mul3A_408 : i32
        %add3A_410 = arith.addi %mul3A_409, %scan3A_406 : i32
        %get3A = arith.constant 0 : i32
        %get3A_411 = arith.index_cast %get3A : i32 to index
        %get3A_412 = arith.index_cast %add3A_410 : i32 to index
        %get3A_413 = arith.constant 0 : index
        %get3A_414 = tpu.vector_load %arg8[%get3A_411, %get3A_412, %get3A_413] {strides = array<i32>} : memref<3x128x128xf32, #tpu.memory_space<vmem>>, vector<1x1x16xf32>,
        %get3A_415 = vector.shape_cast %get3A_414 : vector<1x1x16xf32> to vector<16xf32>
        %get3A_416 = arith.constant 0 : i32
        %get3A_417 = arith.index_cast %get3A_416 : i32 to index
        %get3A_418 = arith.index_cast %add3A_410 : i32 to index
        %get3A_419 = arith.constant 0 : index
        %get3A_420 = tpu.vector_load %arg9[%get3A_417, %get3A_418, %get3A_419] {strides = array<i32>} : memref<3x128x128xf32, #tpu.memory_space<vmem>>, vector<1x1x16xf32>,
        %get3A_421 = vector.shape_cast %get3A_420 : vector<1x1x16xf32> to vector<16xf32>
        %mul3A_422 = arith.mulf %get3A_415, %get3A_421 : vector<16xf32>
        %get3A_423 = arith.constant 0 : i32
        %get3A_424 = arith.index_cast %get3A_423 : i32 to index
        %get3A_425 = arith.index_cast %add3A_410 : i32 to index
        %get3A_426 = arith.constant 16 : index
        %get3A_427 = tpu.vector_load %arg8[%get3A_424, %get3A_425, %get3A_426] {strides = array<i32>} : memref<3x128x128xf32, #tpu.memory_space<vmem>>, vector<1x1x16xf32>,
        %get3A_428 = vector.shape_cast %get3A_427 : vector<1x1x16xf32> to vector<16xf32>
        %get3A_429 = arith.constant 0 : i32
        %get3A_430 = arith.index_cast %get3A_429 : i32 to index
        %get3A_431 = arith.index_cast %add3A_410 : i32 to index
        %get3A_432 = arith.constant 16 : index
        %get3A_433 = tpu.vector_load %arg9[%get3A_430, %get3A_431, %get3A_432] {strides = array<i32>} : memref<3x128x128xf32, #tpu.memory_space<vmem>>, vector<1x1x16xf32>,
        %get3A_434 = vector.shape_cast %get3A_433 : vector<1x1x16xf32> to vector<16xf32>
        %mul3A_435 = arith.mulf %get3A_428, %get3A_434 : vector<16xf32>
        %add3A_436 = arith.addf %mul3A_422, %mul3A_435 : vector<16xf32>
        %get3A_437 = arith.constant 0 : i32
        %get3A_438 = arith.index_cast %get3A_437 : i32 to index
        %get3A_439 = arith.index_cast %add3A_410 : i32 to index
        %get3A_440 = arith.constant 32 : index
        %get3A_441 = tpu.vector_load %arg8[%get3A_438, %get3A_439, %get3A_440] {strides = array<i32>} : memref<3x128x128xf32, #tpu.memory_space<vmem>>, vector<1x1x16xf32>,
        %get3A_442 = vector.shape_cast %get3A_441 : vector<1x1x16xf32> to vector<16xf32>
        %get3A_443 = arith.constant 0 : i32
        %get3A_444 = arith.index_cast %get3A_443 : i32 to index
        %get3A_445 = arith.index_cast %add3A_410 : i32 to index
        %get3A_446 = arith.constant 32 : index
        %get3A_447 = tpu.vector_load %arg9[%get3A_444, %get3A_445, %get3A_446] {strides = array<i32>} : memref<3x128x128xf32, #tpu.memory_space<vmem>>, vector<1x1x16xf32>,
        %get3A_448 = vector.shape_cast %get3A_447 : vector<1x1x16xf32> to vector<16xf32>
        %mul3A_449 = arith.mulf %get3A_442, %get3A_448 : vector<16xf32>
        %add3A_450 = arith.addf %add3A_436, %mul3A_449 : vector<16xf32>
        %get3A_451 = arith.constant 0 : i32
        %get3A_452 = arith.index_cast %get3A_451 : i32 to index
        %get3A_453 = arith.index_cast %add3A_410 : i32 to index
        %get3A_454 = arith.constant 48 : index
        %get3A_455 = tpu.vector_load %arg8[%get3A_452, %get3A_453, %get3A_454] {strides = array<i32>} : memref<3x128x128xf32, #tpu.memory_space<vmem>>, vector<1x1x16xf32>,
        %get3A_456 = vector.shape_cast %get3A_455 : vector<1x1x16xf32> to vector<16xf32>
        %get3A_457 = arith.constant 0 : i32
        %get3A_458 = arith.index_cast %get3A_457 : i32 to index
        %get3A_459 = arith.index_cast %add3A_410 : i32 to index
        %get3A_460 = arith.constant 48 : index
        %get3A_461 = tpu.vector_load %arg9[%get3A_458, %get3A_459, %get3A_460] {strides = array<i32>} : memref<3x128x128xf32, #tpu.memory_space<vmem>>, vector<1x1x16xf32>,
        %get3A_462 = vector.shape_cast %get3A_461 : vector<1x1x16xf32> to vector<16xf32>
        %mul3A_463 = arith.mulf %get3A_456, %get3A_462 : vector<16xf32>
        %add3A_464 = arith.addf %add3A_450, %mul3A_463 : vector<16xf32>
        %get3A_465 = arith.constant 0 : i32
        %get3A_466 = arith.index_cast %get3A_465 : i32 to index
        %get3A_467 = arith.index_cast %add3A_410 : i32 to index
        %get3A_468 = arith.constant 64 : index
        %get3A_469 = tpu.vector_load %arg8[%get3A_466, %get3A_467, %get3A_468] {strides = array<i32>} : memref<3x128x128xf32, #tpu.memory_space<vmem>>, vector<1x1x16xf32>,
        %get3A_470 = vector.shape_cast %get3A_469 : vector<1x1x16xf32> to vector<16xf32>
        %get3A_471 = arith.constant 0 : i32
        %get3A_472 = arith.index_cast %get3A_471 : i32 to index
        %get3A_473 = arith.index_cast %add3A_410 : i32 to index
        %get3A_474 = arith.constant 64 : index
        %get3A_475 = tpu.vector_load %arg9[%get3A_472, %get3A_473, %get3A_474] {strides = array<i32>} : memref<3x128x128xf32, #tpu.memory_space<vmem>>, vector<1x1x16xf32>,
        %get3A_476 = vector.shape_cast %get3A_475 : vector<1x1x16xf32> to vector<16xf32>
        %mul3A_477 = arith.mulf %get3A_470, %get3A_476 : vector<16xf32>
        %add3A_478 = arith.addf %add3A_464, %mul3A_477 : vector<16xf32>
        %get3A_479 = arith.constant 0 : i32
        %get3A_480 = arith.index_cast %get3A_479 : i32 to index
        %get3A_481 = arith.index_cast %add3A_410 : i32 to index
        %get3A_482 = arith.constant 80 : index
        %get3A_483 = tpu.vector_load %arg8[%get3A_480, %get3A_481, %get3A_482] {strides = array<i32>} : memref<3x128x128xf32, #tpu.memory_space<vmem>>, vector<1x1x16xf32>,
        %get3A_484 = vector.shape_cast %get3A_483 : vector<1x1x16xf32> to vector<16xf32>
        %get3A_485 = arith.constant 0 : i32
        %get3A_486 = arith.index_cast %get3A_485 : i32 to index
        %get3A_487 = arith.index_cast %add3A_410 : i32 to index
        %get3A_488 = arith.constant 80 : index
        %get3A_489 = tpu.vector_load %arg9[%get3A_486, %get3A_487, %get3A_488] {strides = array<i32>} : memref<3x128x128xf32, #tpu.memory_space<vmem>>, vector<1x1x16xf32>,
        %get3A_490 = vector.shape_cast %get3A_489 : vector<1x1x16xf32> to vector<16xf32>
        %mul3A_491 = arith.mulf %get3A_484, %get3A_490 : vector<16xf32>
        %add3A_492 = arith.addf %add3A_478, %mul3A_491 : vector<16xf32>
        %get3A_493 = arith.constant 0 : i32
        %get3A_494 = arith.index_cast %get3A_493 : i32 to index
        %get3A_495 = arith.index_cast %add3A_410 : i32 to index
        %get3A_496 = arith.constant 96 : index
        %get3A_497 = tpu.vector_load %arg8[%get3A_494, %get3A_495, %get3A_496] {strides = array<i32>} : memref<3x128x128xf32, #tpu.memory_space<vmem>>, vector<1x1x16xf32>,
        %get3A_498 = vector.shape_cast %get3A_497 : vector<1x1x16xf32> to vector<16xf32>
        %get3A_499 = arith.constant 0 : i32
        %get3A_500 = arith.index_cast %get3A_499 : i32 to index
        %get3A_501 = arith.index_cast %add3A_410 : i32 to index
        %get3A_502 = arith.constant 96 : index
        %get3A_503 = tpu.vector_load %arg9[%get3A_500, %get3A_501, %get3A_502] {strides = array<i32>} : memref<3x128x128xf32, #tpu.memory_space<vmem>>, vector<1x1x16xf32>,
        %get3A_504 = vector.shape_cast %get3A_503 : vector<1x1x16xf32> to vector<16xf32>
        %mul3A_505 = arith.mulf %get3A_498, %get3A_504 : vector<16xf32>
        %add3A_506 = arith.addf %add3A_492, %mul3A_505 : vector<16xf32>
        %get3A_507 = arith.constant 0 : i32
        %get3A_508 = arith.index_cast %get3A_507 : i32 to index
        %get3A_509 = arith.index_cast %add3A_410 : i32 to index
        %get3A_510 = arith.constant 112 : index
        %get3A_511 = tpu.vector_load %arg8[%get3A_508, %get3A_509, %get3A_510] {strides = array<i32>} : memref<3x128x128xf32, #tpu.memory_space<vmem>>, vector<1x1x16xf32>,
        %get3A_512 = vector.shape_cast %get3A_511 : vector<1x1x16xf32> to vector<16xf32>
        %get3A_513 = arith.constant 0 : i32
        %get3A_514 = arith.index_cast %get3A_513 : i32 to index
        %get3A_515 = arith.index_cast %add3A_410 : i32 to index
        %get3A_516 = arith.constant 112 : index
        %get3A_517 = tpu.vector_load %arg9[%get3A_514, %get3A_515, %get3A_516] {strides = array<i32>} : memref<3x128x128xf32, #tpu.memory_space<vmem>>, vector<1x1x16xf32>,
        %get3A_518 = vector.shape_cast %get3A_517 : vector<1x1x16xf32> to vector<16xf32>
        %mul3A_519 = arith.mulf %get3A_512, %get3A_518 : vector<16xf32>
        %add3A_520 = arith.addf %add3A_506, %mul3A_519 : vector<16xf32>
        %broadcast_in_dim3A_521 = vector.shape_cast %xor3A_2 : vector<16xi32> to vector<16x1xi32>
        %gather3A = vector.shape_cast %broadcast_in_dim3A_521 : vector<16x1xi32> to vector<16xi32>
        %gather3A_522 = tpu.dynamic_gather %add3A_520[%gather3A] in [0] : vector<16xf32>, vector<16xi32> -> vector<16xf32>
        %add3A_523 = arith.addf %add3A_520, %gather3A_522 : vector<16xf32>
        %broadcast_in_dim3A_524 = vector.shape_cast %xor3A_5 : vector<16xi32> to vector<16x1xi32>
        %gather3A_525 = vector.shape_cast %broadcast_in_dim3A_524 : vector<16x1xi32> to vector<16xi32>
        %gather3A_526 = tpu.dynamic_gather %add3A_523[%gather3A_525] in [0] : vector<16xf32>, vector<16xi32> -> vector<16xf32>
        %add3A_527 = arith.addf %add3A_523, %gather3A_526 : vector<16xf32>
        %broadcast_in_dim3A_528 = vector.shape_cast %xor3A_8 : vector<16xi32> to vector<16x1xi32>
        %gather3A_529 = vector.shape_cast %broadcast_in_dim3A_528 : vector<16x1xi32> to vector<16xi32>
        %gather3A_530 = tpu.dynamic_gather %add3A_527[%gather3A_529] in [0] : vector<16xf32>, vector<16xi32> -> vector<16xf32>
        %add3A_531 = arith.addf %add3A_527, %gather3A_530 : vector<16xf32>
        %broadcast_in_dim3A_532 = vector.shape_cast %xor3A_11 : vector<16xi32> to vector<16x1xi32>
        %gather3A_533 = vector.shape_cast %broadcast_in_dim3A_532 : vector<16x1xi32> to vector<16xi32>
        %gather3A_534 = tpu.dynamic_gather %add3A_531[%gather3A_533] in [0] : vector<16xf32>, vector<16xi32> -> vector<16xf32>
        %add3A_535 = arith.addf %add3A_531, %gather3A_534 : vector<16xf32>
        %eq3A = vector.broadcast %scan3A_406 : i32 to vector<16xi32>
        %eq3A_536 = arith.cmpi eq, %iota3A, %eq3A : vector<16xi32>
        %select_n3A = arith.select %eq3A_536, %add3A_535, %scan3A_407 : vector<16xi1>, vector<16xf32>
        scf.yield %select_n3A : vector<16xf32>
      }
      %scan3A_398 = arith.constant 16 : i32
      %mul3A_399 = arith.constant 16 : i32
      %mul3A_400 = arith.muli %scan3A_391, %mul3A_399 : i32
      %add3A_401 = arith.constant 0 : i32
      %add3A_402 = arith.addi %add3A_401, %mul3A_400 : i32
      %swap3A = arith.index_cast %add3A_402 : i32 to index
      %swap3A_403 = tpu.vector_load %arg10[%swap3A] {strides = array<i32>} : memref<512xf32, #tpu.memory_space<vmem>>, vector<16xf32>,
      %swap3A_404 = vector.shape_cast %swap3A_403 : vector<16xf32> to vector<16xf32>
      %swap3A_405 = vector.shape_cast %scan3A_397 : vector<16xf32> to vector<16xf32>
      tpu.vector_store %arg10[%swap3A], %swap3A_405 {strides = array<i32>} : memref<512xf32, #tpu.memory_space<vmem>>, vector<16xf32>,
    }
    %scan3A_142 = arith.constant 2 : i32
    %dma_start3A_143 = arith.constant 2 : i32
    %dma_start3A_144 = arith.constant 0 : i32
    %dma_start3A_145 = arith.constant 0 : i32
    %dma_start3A_146 = arith.constant 0 : i32
    %dma_start3A_147 = tpu.memref_slice %arg8[%dma_start3A_144, %dma_start3A_145, %dma_start3A_146] : memref<3x128x128xf32, #tpu.memory_space<vmem>> -> memref<1x128x128xf32, #tpu.memory_space<vmem>>
    %dma_start3A_148 = tpu.memref_squeeze %dma_start3A_147 : memref<1x128x128xf32, #tpu.memory_space<vmem>> -> memref<128x128xf32, #tpu.memory_space<vmem>>
    %dma_start3A_149 = arith.constant 0 : i32
    %dma_start3A_150 = tpu.memref_slice %arg6[%dma_start3A_143, %dma_start3A_149] : memref<4x128xi32, #tpu.memory_space<vmem>> -> memref<1x128xi32, #tpu.memory_space<vmem>>
    %dma_start3A_151 = tpu.memref_squeeze %dma_start3A_150 : memref<1x128xi32, #tpu.memory_space<vmem>> -> memref<128xi32, #tpu.memory_space<vmem>>
    %dma_start3A_152 = arith.constant 0 : i32
    %dma_start3A_153 = arith.constant 0 : i32
    %dma_start3A_154 = tpu.memref_slice %arg3[%dma_start3A_152, %dma_start3A_153] : memref<1000000x128xf32, #tpu.memory_space<hbm>> -> memref<1000000x128xf32, #tpu.memory_space<hbm>>
    tpu.enqueue_indirect_dma source(%dma_start3A_154 : memref<1000000x128xf32, #tpu.memory_space<hbm>>) target(%dma_start3A_148 : memref<128x128xf32, #tpu.memory_space<vmem>>) offsets(%dma_start3A_151 : memref<128xi32, #tpu.memory_space<vmem>>) semaphore(%arg11 : memref<!tpu.dma_semaphore, #tpu.memory_space<semaphore_mem>>)
    %dma_start3A_155 = arith.constant 2 : i32
    %dma_start3A_156 = arith.constant 0 : i32
    %dma_start3A_157 = arith.constant 0 : i32
    %dma_start3A_158 = arith.constant 0 : i32
    %dma_start3A_159 = tpu.memref_slice %arg9[%dma_start3A_156, %dma_start3A_157, %dma_start3A_158] : memref<3x128x128xf32, #tpu.memory_space<vmem>> -> memref<1x128x128xf32, #tpu.memory_space<vmem>>
    %dma_start3A_160 = tpu.memref_squeeze %dma_start3A_159 : memref<1x128x128xf32, #tpu.memory_space<vmem>> -> memref<128x128xf32, #tpu.memory_space<vmem>>
    %dma_start3A_161 = arith.constant 0 : i32
    %dma_start3A_162 = tpu.memref_slice %arg7[%dma_start3A_155, %dma_start3A_161] : memref<4x128xi32, #tpu.memory_space<vmem>> -> memref<1x128xi32, #tpu.memory_space<vmem>>
    %dma_start3A_163 = tpu.memref_squeeze %dma_start3A_162 : memref<1x128xi32, #tpu.memory_space<vmem>> -> memref<128xi32, #tpu.memory_space<vmem>>
    %dma_start3A_164 = arith.constant 0 : i32
    %dma_start3A_165 = arith.constant 0 : i32
    %dma_start3A_166 = tpu.memref_slice %arg4[%dma_start3A_164, %dma_start3A_165] : memref<100000x128xf32, #tpu.memory_space<hbm>> -> memref<100000x128xf32, #tpu.memory_space<hbm>>
    tpu.enqueue_indirect_dma source(%dma_start3A_166 : memref<100000x128xf32, #tpu.memory_space<hbm>>) target(%dma_start3A_160 : memref<128x128xf32, #tpu.memory_space<vmem>>) offsets(%dma_start3A_163 : memref<128xi32, #tpu.memory_space<vmem>>) semaphore(%arg11 : memref<!tpu.dma_semaphore, #tpu.memory_space<semaphore_mem>>)
    %mul3A_167 = arith.constant 512 : i32
    %mul3A_168 = arith.muli %add3A, %mul3A_167 : i32
    %add3A_169 = arith.constant 0 : i32
    %add3A_170 = arith.addi %mul3A_168, %add3A_169 : i32
    %dma_start3A_171 = arith.constant 0 : i32
    %dma_start3A_172 = tpu.memref_slice %arg10[%dma_start3A_171] : memref<512xf32, #tpu.memory_space<vmem>> -> memref<32xf32, #tpu.memory_space<vmem>>
    %dma_start3A_173 = tpu.memref_slice %arg5[%add3A_170] : memref<16384xf32, #tpu.memory_space<hbm>> -> memref<32xf32, #tpu.memory_space<hbm>>
    %dma_start3A_174 = tpu.memref_slice %arg5[%add3A_170] : memref<16384xf32, #tpu.memory_space<hbm>> -> memref<32xf32, #tpu.memory_space<hbm>>
    %dma_start3A_175 = arith.constant 0 : i32
    %dma_start3A_176 = tpu.memref_slice %arg10[%dma_start3A_175] : memref<512xf32, #tpu.memory_space<vmem>> -> memref<32xf32, #tpu.memory_space<vmem>>
    tpu.enqueue_dma source(%dma_start3A_176 : memref<32xf32, #tpu.memory_space<vmem>>) target(%dma_start3A_174 : memref<32xf32, #tpu.memory_space<hbm>>) target_semaphore(%arg14 : memref<!tpu.dma_semaphore, #tpu.memory_space<semaphore_mem>>)
    %dma_wait3A_177 = arith.constant 0 : i32
    %dma_wait3A_178 = arith.constant 1 : i32
    %dma_wait3A_179 = arith.constant 0 : i32
    %dma_wait3A_180 = arith.constant 0 : i32
    %dma_wait3A_181 = tpu.memref_slice %arg8[%dma_wait3A_178, %dma_wait3A_179, %dma_wait3A_180] : memref<3x128x128xf32, #tpu.memory_space<vmem>> -> memref<1x96x128xf32, #tpu.memory_space<vmem>>
    %dma_wait3A_182 = tpu.memref_squeeze %dma_wait3A_181 : memref<1x96x128xf32, #tpu.memory_space<vmem>> -> memref<96x128xf32, #tpu.memory_space<vmem>>
    %dma_wait3A_183 = arith.constant 32 : i32
    %dma_wait3A_184 = tpu.memref_slice %arg6[%dma_wait3A_177, %dma_wait3A_183] : memref<4x128xi32, #tpu.memory_space<vmem>> -> memref<1x96xi32, #tpu.memory_space<vmem>>
    %dma_wait3A_185 = tpu.memref_squeeze %dma_wait3A_184 : memref<1x96xi32, #tpu.memory_space<vmem>> -> memref<96xi32, #tpu.memory_space<vmem>>
    %dma_wait3A_186 = arith.constant 0 : i32
    %dma_wait3A_187 = arith.constant 0 : i32
    %dma_wait3A_188 = tpu.memref_slice %arg3[%dma_wait3A_186, %dma_wait3A_187] : memref<1000000x128xf32, #tpu.memory_space<hbm>> -> memref<1000000x128xf32, #tpu.memory_space<hbm>>
    tpu.wait_indirect_dma semaphore(%arg12 : memref<!tpu.dma_semaphore, #tpu.memory_space<semaphore_mem>>) src(%dma_wait3A_188 : memref<1000000x128xf32, #tpu.memory_space<hbm>>) dst(%dma_wait3A_182 : memref<96x128xf32, #tpu.memory_space<vmem>>)
    %dma_wait3A_189 = arith.constant 0 : i32
    %dma_wait3A_190 = arith.constant 1 : i32
    %dma_wait3A_191 = arith.constant 0 : i32
    %dma_wait3A_192 = arith.constant 0 : i32
    %dma_wait3A_193 = tpu.memref_slice %arg9[%dma_wait3A_190, %dma_wait3A_191, %dma_wait3A_192] : memref<3x128x128xf32, #tpu.memory_space<vmem>> -> memref<1x96x128xf32, #tpu.memory_space<vmem>>
    %dma_wait3A_194 = tpu.memref_squeeze %dma_wait3A_193 : memref<1x96x128xf32, #tpu.memory_space<vmem>> -> memref<96x128xf32, #tpu.memory_space<vmem>>
    %dma_wait3A_195 = arith.constant 32 : i32
    %dma_wait3A_196 = tpu.memref_slice %arg7[%dma_wait3A_189, %dma_wait3A_195] : memref<4x128xi32, #tpu.memory_space<vmem>> -> memref<1x96xi32, #tpu.memory_space<vmem>>
    %dma_wait3A_197 = tpu.memref_squeeze %dma_wait3A_196 : memref<1x96xi32, #tpu.memory_space<vmem>> -> memref<96xi32, #tpu.memory_space<vmem>>
    %dma_wait3A_198 = arith.constant 0 : i32
    %dma_wait3A_199 = arith.constant 0 : i32
    %dma_wait3A_200 = tpu.memref_slice %arg4[%dma_wait3A_198, %dma_wait3A_199] : memref<100000x128xf32, #tpu.memory_space<hbm>> -> memref<100000x128xf32, #tpu.memory_space<hbm>>
    tpu.wait_indirect_dma semaphore(%arg12 : memref<!tpu.dma_semaphore, #tpu.memory_space<semaphore_mem>>) src(%dma_wait3A_200 : memref<100000x128xf32, #tpu.memory_space<hbm>>) dst(%dma_wait3A_194 : memref<96x128xf32, #tpu.memory_space<vmem>>)
    %scan3A_201 = arith.constant 0 : i32
    %scan3A_202 = arith.constant 0 : i32
    %scan3A_203 = arith.constant 6 : i32
    %scan3A_204 = arith.addi %scan3A_202, %scan3A_203 : i32
    %scan3A_205 = arith.constant 1 : i32
    scf.for %scan3A_391 = %scan3A_202 to %scan3A_204 step %scan3A_205  : i32 {
      %broadcast_in_dim3A = arith.constant 0.000000e+00 : f32
      %broadcast_in_dim3A_392 = vector.broadcast %broadcast_in_dim3A : f32 to vector<16xf32>
      %scan3A_393 = arith.constant 0 : i32
      %scan3A_394 = arith.constant 16 : i32
      %scan3A_395 = arith.addi %scan3A_393, %scan3A_394 : i32
      %scan3A_396 = arith.constant 1 : i32
      %scan3A_397 = scf.for %scan3A_406 = %scan3A_393 to %scan3A_395 step %scan3A_396 iter_args(%scan3A_407 = %broadcast_in_dim3A_392) -> (vector<16xf32>)  : i32 {
        %mul3A_408 = arith.constant 16 : i32
        %mul3A_409 = arith.muli %scan3A_391, %mul3A_408 : i32
        %add3A_410 = arith.addi %mul3A_409, %scan3A_406 : i32
        %get3A = arith.constant 1 : i32
        %get3A_411 = arith.index_cast %get3A : i32 to index
        %get3A_412 = arith.index_cast %add3A_410 : i32 to index
        %get3A_413 = arith.constant 0 : index
        %get3A_414 = tpu.vector_load %arg8[%get3A_411, %get3A_412, %get3A_413] {strides = array<i32>} : memref<3x128x128xf32, #tpu.memory_space<vmem>>, vector<1x1x16xf32>,
        %get3A_415 = vector.shape_cast %get3A_414 : vector<1x1x16xf32> to vector<16xf32>
        %get3A_416 = arith.constant 1 : i32
        %get3A_417 = arith.index_cast %get3A_416 : i32 to index
        %get3A_418 = arith.index_cast %add3A_410 : i32 to index
        %get3A_419 = arith.constant 0 : index
        %get3A_420 = tpu.vector_load %arg9[%get3A_417, %get3A_418, %get3A_419] {strides = array<i32>} : memref<3x128x128xf32, #tpu.memory_space<vmem>>, vector<1x1x16xf32>,
        %get3A_421 = vector.shape_cast %get3A_420 : vector<1x1x16xf32> to vector<16xf32>
        %mul3A_422 = arith.mulf %get3A_415, %get3A_421 : vector<16xf32>
        %get3A_423 = arith.constant 1 : i32
        %get3A_424 = arith.index_cast %get3A_423 : i32 to index
        %get3A_425 = arith.index_cast %add3A_410 : i32 to index
        %get3A_426 = arith.constant 16 : index
        %get3A_427 = tpu.vector_load %arg8[%get3A_424, %get3A_425, %get3A_426] {strides = array<i32>} : memref<3x128x128xf32, #tpu.memory_space<vmem>>, vector<1x1x16xf32>,
        %get3A_428 = vector.shape_cast %get3A_427 : vector<1x1x16xf32> to vector<16xf32>
        %get3A_429 = arith.constant 1 : i32
        %get3A_430 = arith.index_cast %get3A_429 : i32 to index
        %get3A_431 = arith.index_cast %add3A_410 : i32 to index
        %get3A_432 = arith.constant 16 : index
        %get3A_433 = tpu.vector_load %arg9[%get3A_430, %get3A_431, %get3A_432] {strides = array<i32>} : memref<3x128x128xf32, #tpu.memory_space<vmem>>, vector<1x1x16xf32>,
        %get3A_434 = vector.shape_cast %get3A_433 : vector<1x1x16xf32> to vector<16xf32>
        %mul3A_435 = arith.mulf %get3A_428, %get3A_434 : vector<16xf32>
        %add3A_436 = arith.addf %mul3A_422, %mul3A_435 : vector<16xf32>
        %get3A_437 = arith.constant 1 : i32
        %get3A_438 = arith.index_cast %get3A_437 : i32 to index
        %get3A_439 = arith.index_cast %add3A_410 : i32 to index
        %get3A_440 = arith.constant 32 : index
        %get3A_441 = tpu.vector_load %arg8[%get3A_438, %get3A_439, %get3A_440] {strides = array<i32>} : memref<3x128x128xf32, #tpu.memory_space<vmem>>, vector<1x1x16xf32>,
        %get3A_442 = vector.shape_cast %get3A_441 : vector<1x1x16xf32> to vector<16xf32>
        %get3A_443 = arith.constant 1 : i32
        %get3A_444 = arith.index_cast %get3A_443 : i32 to index
        %get3A_445 = arith.index_cast %add3A_410 : i32 to index
        %get3A_446 = arith.constant 32 : index
        %get3A_447 = tpu.vector_load %arg9[%get3A_444, %get3A_445, %get3A_446] {strides = array<i32>} : memref<3x128x128xf32, #tpu.memory_space<vmem>>, vector<1x1x16xf32>,
        %get3A_448 = vector.shape_cast %get3A_447 : vector<1x1x16xf32> to vector<16xf32>
        %mul3A_449 = arith.mulf %get3A_442, %get3A_448 : vector<16xf32>
        %add3A_450 = arith.addf %add3A_436, %mul3A_449 : vector<16xf32>
        %get3A_451 = arith.constant 1 : i32
        %get3A_452 = arith.index_cast %get3A_451 : i32 to index
        %get3A_453 = arith.index_cast %add3A_410 : i32 to index
        %get3A_454 = arith.constant 48 : index
        %get3A_455 = tpu.vector_load %arg8[%get3A_452, %get3A_453, %get3A_454] {strides = array<i32>} : memref<3x128x128xf32, #tpu.memory_space<vmem>>, vector<1x1x16xf32>,
        %get3A_456 = vector.shape_cast %get3A_455 : vector<1x1x16xf32> to vector<16xf32>
        %get3A_457 = arith.constant 1 : i32
        %get3A_458 = arith.index_cast %get3A_457 : i32 to index
        %get3A_459 = arith.index_cast %add3A_410 : i32 to index
        %get3A_460 = arith.constant 48 : index
        %get3A_461 = tpu.vector_load %arg9[%get3A_458, %get3A_459, %get3A_460] {strides = array<i32>} : memref<3x128x128xf32, #tpu.memory_space<vmem>>, vector<1x1x16xf32>,
        %get3A_462 = vector.shape_cast %get3A_461 : vector<1x1x16xf32> to vector<16xf32>
        %mul3A_463 = arith.mulf %get3A_456, %get3A_462 : vector<16xf32>
        %add3A_464 = arith.addf %add3A_450, %mul3A_463 : vector<16xf32>
        %get3A_465 = arith.constant 1 : i32
        %get3A_466 = arith.index_cast %get3A_465 : i32 to index
        %get3A_467 = arith.index_cast %add3A_410 : i32 to index
        %get3A_468 = arith.constant 64 : index
        %get3A_469 = tpu.vector_load %arg8[%get3A_466, %get3A_467, %get3A_468] {strides = array<i32>} : memref<3x128x128xf32, #tpu.memory_space<vmem>>, vector<1x1x16xf32>,
        %get3A_470 = vector.shape_cast %get3A_469 : vector<1x1x16xf32> to vector<16xf32>
        %get3A_471 = arith.constant 1 : i32
        %get3A_472 = arith.index_cast %get3A_471 : i32 to index
        %get3A_473 = arith.index_cast %add3A_410 : i32 to index
        %get3A_474 = arith.constant 64 : index
        %get3A_475 = tpu.vector_load %arg9[%get3A_472, %get3A_473, %get3A_474] {strides = array<i32>} : memref<3x128x128xf32, #tpu.memory_space<vmem>>, vector<1x1x16xf32>,
        %get3A_476 = vector.shape_cast %get3A_475 : vector<1x1x16xf32> to vector<16xf32>
        %mul3A_477 = arith.mulf %get3A_470, %get3A_476 : vector<16xf32>
        %add3A_478 = arith.addf %add3A_464, %mul3A_477 : vector<16xf32>
        %get3A_479 = arith.constant 1 : i32
        %get3A_480 = arith.index_cast %get3A_479 : i32 to index
        %get3A_481 = arith.index_cast %add3A_410 : i32 to index
        %get3A_482 = arith.constant 80 : index
        %get3A_483 = tpu.vector_load %arg8[%get3A_480, %get3A_481, %get3A_482] {strides = array<i32>} : memref<3x128x128xf32, #tpu.memory_space<vmem>>, vector<1x1x16xf32>,
        %get3A_484 = vector.shape_cast %get3A_483 : vector<1x1x16xf32> to vector<16xf32>
        %get3A_485 = arith.constant 1 : i32
        %get3A_486 = arith.index_cast %get3A_485 : i32 to index
        %get3A_487 = arith.index_cast %add3A_410 : i32 to index
        %get3A_488 = arith.constant 80 : index
        %get3A_489 = tpu.vector_load %arg9[%get3A_486, %get3A_487, %get3A_488] {strides = array<i32>} : memref<3x128x128xf32, #tpu.memory_space<vmem>>, vector<1x1x16xf32>,
        %get3A_490 = vector.shape_cast %get3A_489 : vector<1x1x16xf32> to vector<16xf32>
        %mul3A_491 = arith.mulf %get3A_484, %get3A_490 : vector<16xf32>
        %add3A_492 = arith.addf %add3A_478, %mul3A_491 : vector<16xf32>
        %get3A_493 = arith.constant 1 : i32
        %get3A_494 = arith.index_cast %get3A_493 : i32 to index
        %get3A_495 = arith.index_cast %add3A_410 : i32 to index
        %get3A_496 = arith.constant 96 : index
        %get3A_497 = tpu.vector_load %arg8[%get3A_494, %get3A_495, %get3A_496] {strides = array<i32>} : memref<3x128x128xf32, #tpu.memory_space<vmem>>, vector<1x1x16xf32>,
        %get3A_498 = vector.shape_cast %get3A_497 : vector<1x1x16xf32> to vector<16xf32>
        %get3A_499 = arith.constant 1 : i32
        %get3A_500 = arith.index_cast %get3A_499 : i32 to index
        %get3A_501 = arith.index_cast %add3A_410 : i32 to index
        %get3A_502 = arith.constant 96 : index
        %get3A_503 = tpu.vector_load %arg9[%get3A_500, %get3A_501, %get3A_502] {strides = array<i32>} : memref<3x128x128xf32, #tpu.memory_space<vmem>>, vector<1x1x16xf32>,
        %get3A_504 = vector.shape_cast %get3A_503 : vector<1x1x16xf32> to vector<16xf32>
        %mul3A_505 = arith.mulf %get3A_498, %get3A_504 : vector<16xf32>
        %add3A_506 = arith.addf %add3A_492, %mul3A_505 : vector<16xf32>
        %get3A_507 = arith.constant 1 : i32
        %get3A_508 = arith.index_cast %get3A_507 : i32 to index
        %get3A_509 = arith.index_cast %add3A_410 : i32 to index
        %get3A_510 = arith.constant 112 : index
        %get3A_511 = tpu.vector_load %arg8[%get3A_508, %get3A_509, %get3A_510] {strides = array<i32>} : memref<3x128x128xf32, #tpu.memory_space<vmem>>, vector<1x1x16xf32>,
        %get3A_512 = vector.shape_cast %get3A_511 : vector<1x1x16xf32> to vector<16xf32>
        %get3A_513 = arith.constant 1 : i32
        %get3A_514 = arith.index_cast %get3A_513 : i32 to index
        %get3A_515 = arith.index_cast %add3A_410 : i32 to index
        %get3A_516 = arith.constant 112 : index
        %get3A_517 = tpu.vector_load %arg9[%get3A_514, %get3A_515, %get3A_516] {strides = array<i32>} : memref<3x128x128xf32, #tpu.memory_space<vmem>>, vector<1x1x16xf32>,
        %get3A_518 = vector.shape_cast %get3A_517 : vector<1x1x16xf32> to vector<16xf32>
        %mul3A_519 = arith.mulf %get3A_512, %get3A_518 : vector<16xf32>
        %add3A_520 = arith.addf %add3A_506, %mul3A_519 : vector<16xf32>
        %broadcast_in_dim3A_521 = vector.shape_cast %xor3A_2 : vector<16xi32> to vector<16x1xi32>
        %gather3A = vector.shape_cast %broadcast_in_dim3A_521 : vector<16x1xi32> to vector<16xi32>
        %gather3A_522 = tpu.dynamic_gather %add3A_520[%gather3A] in [0] : vector<16xf32>, vector<16xi32> -> vector<16xf32>
        %add3A_523 = arith.addf %add3A_520, %gather3A_522 : vector<16xf32>
        %broadcast_in_dim3A_524 = vector.shape_cast %xor3A_5 : vector<16xi32> to vector<16x1xi32>
        %gather3A_525 = vector.shape_cast %broadcast_in_dim3A_524 : vector<16x1xi32> to vector<16xi32>
        %gather3A_526 = tpu.dynamic_gather %add3A_523[%gather3A_525] in [0] : vector<16xf32>, vector<16xi32> -> vector<16xf32>
        %add3A_527 = arith.addf %add3A_523, %gather3A_526 : vector<16xf32>
        %broadcast_in_dim3A_528 = vector.shape_cast %xor3A_8 : vector<16xi32> to vector<16x1xi32>
        %gather3A_529 = vector.shape_cast %broadcast_in_dim3A_528 : vector<16x1xi32> to vector<16xi32>
        %gather3A_530 = tpu.dynamic_gather %add3A_527[%gather3A_529] in [0] : vector<16xf32>, vector<16xi32> -> vector<16xf32>
        %add3A_531 = arith.addf %add3A_527, %gather3A_530 : vector<16xf32>
        %broadcast_in_dim3A_532 = vector.shape_cast %xor3A_11 : vector<16xi32> to vector<16x1xi32>
        %gather3A_533 = vector.shape_cast %broadcast_in_dim3A_532 : vector<16x1xi32> to vector<16xi32>
        %gather3A_534 = tpu.dynamic_gather %add3A_531[%gather3A_533] in [0] : vector<16xf32>, vector<16xi32> -> vector<16xf32>
        %add3A_535 = arith.addf %add3A_531, %gather3A_534 : vector<16xf32>
        %eq3A = vector.broadcast %scan3A_406 : i32 to vector<16xi32>
        %eq3A_536 = arith.cmpi eq, %iota3A, %eq3A : vector<16xi32>
        %select_n3A = arith.select %eq3A_536, %add3A_535, %scan3A_407 : vector<16xi1>, vector<16xf32>
        scf.yield %select_n3A : vector<16xf32>
      }
      %scan3A_398 = arith.constant 16 : i32
      %mul3A_399 = arith.constant 16 : i32
      %mul3A_400 = arith.muli %scan3A_391, %mul3A_399 : i32
      %add3A_401 = arith.constant 32 : i32
      %add3A_402 = arith.addi %add3A_401, %mul3A_400 : i32
      %swap3A = arith.index_cast %add3A_402 : i32 to index
      %swap3A_403 = tpu.vector_load %arg10[%swap3A] {strides = array<i32>} : memref<512xf32, #tpu.memory_space<vmem>>, vector<16xf32>,
      %swap3A_404 = vector.shape_cast %swap3A_403 : vector<16xf32> to vector<16xf32>
      %swap3A_405 = vector.shape_cast %scan3A_397 : vector<16xf32> to vector<16xf32>
      tpu.vector_store %arg10[%swap3A], %swap3A_405 {strides = array<i32>} : memref<512xf32, #tpu.memory_space<vmem>>, vector<16xf32>,
    }
    %scan3A_206 = arith.constant 6 : i32
    %dma_start3A_207 = arith.constant 3 : i32
    %dma_start3A_208 = arith.constant 1 : i32
    %dma_start3A_209 = arith.constant 0 : i32
    %dma_start3A_210 = arith.constant 0 : i32
    %dma_start3A_211 = tpu.memref_slice %arg8[%dma_start3A_208, %dma_start3A_209, %dma_start3A_210] : memref<3x128x128xf32, #tpu.memory_space<vmem>> -> memref<1x128x128xf32, #tpu.memory_space<vmem>>
    %dma_start3A_212 = tpu.memref_squeeze %dma_start3A_211 : memref<1x128x128xf32, #tpu.memory_space<vmem>> -> memref<128x128xf32, #tpu.memory_space<vmem>>
    %dma_start3A_213 = arith.constant 0 : i32
    %dma_start3A_214 = tpu.memref_slice %arg6[%dma_start3A_207, %dma_start3A_213] : memref<4x128xi32, #tpu.memory_space<vmem>> -> memref<1x128xi32, #tpu.memory_space<vmem>>
    %dma_start3A_215 = tpu.memref_squeeze %dma_start3A_214 : memref<1x128xi32, #tpu.memory_space<vmem>> -> memref<128xi32, #tpu.memory_space<vmem>>
    %dma_start3A_216 = arith.constant 0 : i32
    %dma_start3A_217 = arith.constant 0 : i32
    %dma_start3A_218 = tpu.memref_slice %arg3[%dma_start3A_216, %dma_start3A_217] : memref<1000000x128xf32, #tpu.memory_space<hbm>> -> memref<1000000x128xf32, #tpu.memory_space<hbm>>
    tpu.enqueue_indirect_dma source(%dma_start3A_218 : memref<1000000x128xf32, #tpu.memory_space<hbm>>) target(%dma_start3A_212 : memref<128x128xf32, #tpu.memory_space<vmem>>) offsets(%dma_start3A_215 : memref<128xi32, #tpu.memory_space<vmem>>) semaphore(%arg12 : memref<!tpu.dma_semaphore, #tpu.memory_space<semaphore_mem>>)
    %dma_start3A_219 = arith.constant 3 : i32
    %dma_start3A_220 = arith.constant 1 : i32
    %dma_start3A_221 = arith.constant 0 : i32
    %dma_start3A_222 = arith.constant 0 : i32
    %dma_start3A_223 = tpu.memref_slice %arg9[%dma_start3A_220, %dma_start3A_221, %dma_start3A_222] : memref<3x128x128xf32, #tpu.memory_space<vmem>> -> memref<1x128x128xf32, #tpu.memory_space<vmem>>
    %dma_start3A_224 = tpu.memref_squeeze %dma_start3A_223 : memref<1x128x128xf32, #tpu.memory_space<vmem>> -> memref<128x128xf32, #tpu.memory_space<vmem>>
    %dma_start3A_225 = arith.constant 0 : i32
    %dma_start3A_226 = tpu.memref_slice %arg7[%dma_start3A_219, %dma_start3A_225] : memref<4x128xi32, #tpu.memory_space<vmem>> -> memref<1x128xi32, #tpu.memory_space<vmem>>
    %dma_start3A_227 = tpu.memref_squeeze %dma_start3A_226 : memref<1x128xi32, #tpu.memory_space<vmem>> -> memref<128xi32, #tpu.memory_space<vmem>>
    %dma_start3A_228 = arith.constant 0 : i32
    %dma_start3A_229 = arith.constant 0 : i32
    %dma_start3A_230 = tpu.memref_slice %arg4[%dma_start3A_228, %dma_start3A_229] : memref<100000x128xf32, #tpu.memory_space<hbm>> -> memref<100000x128xf32, #tpu.memory_space<hbm>>
    tpu.enqueue_indirect_dma source(%dma_start3A_230 : memref<100000x128xf32, #tpu.memory_space<hbm>>) target(%dma_start3A_224 : memref<128x128xf32, #tpu.memory_space<vmem>>) offsets(%dma_start3A_227 : memref<128xi32, #tpu.memory_space<vmem>>) semaphore(%arg12 : memref<!tpu.dma_semaphore, #tpu.memory_space<semaphore_mem>>)
    %mul3A_231 = arith.constant 512 : i32
    %mul3A_232 = arith.muli %add3A, %mul3A_231 : i32
    %add3A_233 = arith.constant 32 : i32
    %add3A_234 = arith.addi %mul3A_232, %add3A_233 : i32
    %dma_start3A_235 = arith.constant 32 : i32
    %dma_start3A_236 = tpu.memref_slice %arg10[%dma_start3A_235] : memref<512xf32, #tpu.memory_space<vmem>> -> memref<96xf32, #tpu.memory_space<vmem>>
    %dma_start3A_237 = tpu.memref_slice %arg5[%add3A_234] : memref<16384xf32, #tpu.memory_space<hbm>> -> memref<96xf32, #tpu.memory_space<hbm>>
    %dma_start3A_238 = tpu.memref_slice %arg5[%add3A_234] : memref<16384xf32, #tpu.memory_space<hbm>> -> memref<96xf32, #tpu.memory_space<hbm>>
    %dma_start3A_239 = arith.constant 32 : i32
    %dma_start3A_240 = tpu.memref_slice %arg10[%dma_start3A_239] : memref<512xf32, #tpu.memory_space<vmem>> -> memref<96xf32, #tpu.memory_space<vmem>>
    tpu.enqueue_dma source(%dma_start3A_240 : memref<96xf32, #tpu.memory_space<vmem>>) target(%dma_start3A_238 : memref<96xf32, #tpu.memory_space<hbm>>) target_semaphore(%arg14 : memref<!tpu.dma_semaphore, #tpu.memory_space<semaphore_mem>>)
    %dma_wait3A_241 = arith.constant 1 : i32
    %dma_wait3A_242 = arith.constant 2 : i32
    %dma_wait3A_243 = arith.constant 0 : i32
    %dma_wait3A_244 = arith.constant 0 : i32
    %dma_wait3A_245 = tpu.memref_slice %arg8[%dma_wait3A_242, %dma_wait3A_243, %dma_wait3A_244] : memref<3x128x128xf32, #tpu.memory_space<vmem>> -> memref<1x128x128xf32, #tpu.memory_space<vmem>>
    %dma_wait3A_246 = tpu.memref_squeeze %dma_wait3A_245 : memref<1x128x128xf32, #tpu.memory_space<vmem>> -> memref<128x128xf32, #tpu.memory_space<vmem>>
    %dma_wait3A_247 = arith.constant 0 : i32
    %dma_wait3A_248 = tpu.memref_slice %arg6[%dma_wait3A_241, %dma_wait3A_247] : memref<4x128xi32, #tpu.memory_space<vmem>> -> memref<1x128xi32, #tpu.memory_space<vmem>>
    %dma_wait3A_249 = tpu.memref_squeeze %dma_wait3A_248 : memref<1x128xi32, #tpu.memory_space<vmem>> -> memref<128xi32, #tpu.memory_space<vmem>>
    %dma_wait3A_250 = arith.constant 0 : i32
    %dma_wait3A_251 = arith.constant 0 : i32
    %dma_wait3A_252 = tpu.memref_slice %arg3[%dma_wait3A_250, %dma_wait3A_251] : memref<1000000x128xf32, #tpu.memory_space<hbm>> -> memref<1000000x128xf32, #tpu.memory_space<hbm>>
    tpu.wait_indirect_dma semaphore(%arg13 : memref<!tpu.dma_semaphore, #tpu.memory_space<semaphore_mem>>) src(%dma_wait3A_252 : memref<1000000x128xf32, #tpu.memory_space<hbm>>) dst(%dma_wait3A_246 : memref<128x128xf32, #tpu.memory_space<vmem>>)
    %dma_wait3A_253 = arith.constant 1 : i32
    %dma_wait3A_254 = arith.constant 2 : i32
    %dma_wait3A_255 = arith.constant 0 : i32
    %dma_wait3A_256 = arith.constant 0 : i32
    %dma_wait3A_257 = tpu.memref_slice %arg9[%dma_wait3A_254, %dma_wait3A_255, %dma_wait3A_256] : memref<3x128x128xf32, #tpu.memory_space<vmem>> -> memref<1x128x128xf32, #tpu.memory_space<vmem>>
    %dma_wait3A_258 = tpu.memref_squeeze %dma_wait3A_257 : memref<1x128x128xf32, #tpu.memory_space<vmem>> -> memref<128x128xf32, #tpu.memory_space<vmem>>
    %dma_wait3A_259 = arith.constant 0 : i32
    %dma_wait3A_260 = tpu.memref_slice %arg7[%dma_wait3A_253, %dma_wait3A_259] : memref<4x128xi32, #tpu.memory_space<vmem>> -> memref<1x128xi32, #tpu.memory_space<vmem>>
    %dma_wait3A_261 = tpu.memref_squeeze %dma_wait3A_260 : memref<1x128xi32, #tpu.memory_space<vmem>> -> memref<128xi32, #tpu.memory_space<vmem>>
    %dma_wait3A_262 = arith.constant 0 : i32
    %dma_wait3A_263 = arith.constant 0 : i32
    %dma_wait3A_264 = tpu.memref_slice %arg4[%dma_wait3A_262, %dma_wait3A_263] : memref<100000x128xf32, #tpu.memory_space<hbm>> -> memref<100000x128xf32, #tpu.memory_space<hbm>>
    tpu.wait_indirect_dma semaphore(%arg13 : memref<!tpu.dma_semaphore, #tpu.memory_space<semaphore_mem>>) src(%dma_wait3A_264 : memref<100000x128xf32, #tpu.memory_space<hbm>>) dst(%dma_wait3A_258 : memref<128x128xf32, #tpu.memory_space<vmem>>)
    %scan3A_265 = arith.constant 0 : i32
    %scan3A_266 = arith.constant 0 : i32
    %scan3A_267 = arith.constant 8 : i32
    %scan3A_268 = arith.addi %scan3A_266, %scan3A_267 : i32
    %scan3A_269 = arith.constant 1 : i32
    scf.for %scan3A_391 = %scan3A_266 to %scan3A_268 step %scan3A_269  : i32 {
      %broadcast_in_dim3A = arith.constant 0.000000e+00 : f32
      %broadcast_in_dim3A_392 = vector.broadcast %broadcast_in_dim3A : f32 to vector<16xf32>
      %scan3A_393 = arith.constant 0 : i32
      %scan3A_394 = arith.constant 16 : i32
      %scan3A_395 = arith.addi %scan3A_393, %scan3A_394 : i32
      %scan3A_396 = arith.constant 1 : i32
      %scan3A_397 = scf.for %scan3A_406 = %scan3A_393 to %scan3A_395 step %scan3A_396 iter_args(%scan3A_407 = %broadcast_in_dim3A_392) -> (vector<16xf32>)  : i32 {
        %mul3A_408 = arith.constant 16 : i32
        %mul3A_409 = arith.muli %scan3A_391, %mul3A_408 : i32
        %add3A_410 = arith.addi %mul3A_409, %scan3A_406 : i32
        %get3A = arith.constant 2 : i32
        %get3A_411 = arith.index_cast %get3A : i32 to index
        %get3A_412 = arith.index_cast %add3A_410 : i32 to index
        %get3A_413 = arith.constant 0 : index
        %get3A_414 = tpu.vector_load %arg8[%get3A_411, %get3A_412, %get3A_413] {strides = array<i32>} : memref<3x128x128xf32, #tpu.memory_space<vmem>>, vector<1x1x16xf32>,
        %get3A_415 = vector.shape_cast %get3A_414 : vector<1x1x16xf32> to vector<16xf32>
        %get3A_416 = arith.constant 2 : i32
        %get3A_417 = arith.index_cast %get3A_416 : i32 to index
        %get3A_418 = arith.index_cast %add3A_410 : i32 to index
        %get3A_419 = arith.constant 0 : index
        %get3A_420 = tpu.vector_load %arg9[%get3A_417, %get3A_418, %get3A_419] {strides = array<i32>} : memref<3x128x128xf32, #tpu.memory_space<vmem>>, vector<1x1x16xf32>,
        %get3A_421 = vector.shape_cast %get3A_420 : vector<1x1x16xf32> to vector<16xf32>
        %mul3A_422 = arith.mulf %get3A_415, %get3A_421 : vector<16xf32>
        %get3A_423 = arith.constant 2 : i32
        %get3A_424 = arith.index_cast %get3A_423 : i32 to index
        %get3A_425 = arith.index_cast %add3A_410 : i32 to index
        %get3A_426 = arith.constant 16 : index
        %get3A_427 = tpu.vector_load %arg8[%get3A_424, %get3A_425, %get3A_426] {strides = array<i32>} : memref<3x128x128xf32, #tpu.memory_space<vmem>>, vector<1x1x16xf32>,
        %get3A_428 = vector.shape_cast %get3A_427 : vector<1x1x16xf32> to vector<16xf32>
        %get3A_429 = arith.constant 2 : i32
        %get3A_430 = arith.index_cast %get3A_429 : i32 to index
        %get3A_431 = arith.index_cast %add3A_410 : i32 to index
        %get3A_432 = arith.constant 16 : index
        %get3A_433 = tpu.vector_load %arg9[%get3A_430, %get3A_431, %get3A_432] {strides = array<i32>} : memref<3x128x128xf32, #tpu.memory_space<vmem>>, vector<1x1x16xf32>,
        %get3A_434 = vector.shape_cast %get3A_433 : vector<1x1x16xf32> to vector<16xf32>
        %mul3A_435 = arith.mulf %get3A_428, %get3A_434 : vector<16xf32>
        %add3A_436 = arith.addf %mul3A_422, %mul3A_435 : vector<16xf32>
        %get3A_437 = arith.constant 2 : i32
        %get3A_438 = arith.index_cast %get3A_437 : i32 to index
        %get3A_439 = arith.index_cast %add3A_410 : i32 to index
        %get3A_440 = arith.constant 32 : index
        %get3A_441 = tpu.vector_load %arg8[%get3A_438, %get3A_439, %get3A_440] {strides = array<i32>} : memref<3x128x128xf32, #tpu.memory_space<vmem>>, vector<1x1x16xf32>,
        %get3A_442 = vector.shape_cast %get3A_441 : vector<1x1x16xf32> to vector<16xf32>
        %get3A_443 = arith.constant 2 : i32
        %get3A_444 = arith.index_cast %get3A_443 : i32 to index
        %get3A_445 = arith.index_cast %add3A_410 : i32 to index
        %get3A_446 = arith.constant 32 : index
        %get3A_447 = tpu.vector_load %arg9[%get3A_444, %get3A_445, %get3A_446] {strides = array<i32>} : memref<3x128x128xf32, #tpu.memory_space<vmem>>, vector<1x1x16xf32>,
        %get3A_448 = vector.shape_cast %get3A_447 : vector<1x1x16xf32> to vector<16xf32>
        %mul3A_449 = arith.mulf %get3A_442, %get3A_448 : vector<16xf32>
        %add3A_450 = arith.addf %add3A_436, %mul3A_449 : vector<16xf32>
        %get3A_451 = arith.constant 2 : i32
        %get3A_452 = arith.index_cast %get3A_451 : i32 to index
        %get3A_453 = arith.index_cast %add3A_410 : i32 to index
        %get3A_454 = arith.constant 48 : index
        %get3A_455 = tpu.vector_load %arg8[%get3A_452, %get3A_453, %get3A_454] {strides = array<i32>} : memref<3x128x128xf32, #tpu.memory_space<vmem>>, vector<1x1x16xf32>,
        %get3A_456 = vector.shape_cast %get3A_455 : vector<1x1x16xf32> to vector<16xf32>
        %get3A_457 = arith.constant 2 : i32
        %get3A_458 = arith.index_cast %get3A_457 : i32 to index
        %get3A_459 = arith.index_cast %add3A_410 : i32 to index
        %get3A_460 = arith.constant 48 : index
        %get3A_461 = tpu.vector_load %arg9[%get3A_458, %get3A_459, %get3A_460] {strides = array<i32>} : memref<3x128x128xf32, #tpu.memory_space<vmem>>, vector<1x1x16xf32>,
        %get3A_462 = vector.shape_cast %get3A_461 : vector<1x1x16xf32> to vector<16xf32>
        %mul3A_463 = arith.mulf %get3A_456, %get3A_462 : vector<16xf32>
        %add3A_464 = arith.addf %add3A_450, %mul3A_463 : vector<16xf32>
        %get3A_465 = arith.constant 2 : i32
        %get3A_466 = arith.index_cast %get3A_465 : i32 to index
        %get3A_467 = arith.index_cast %add3A_410 : i32 to index
        %get3A_468 = arith.constant 64 : index
        %get3A_469 = tpu.vector_load %arg8[%get3A_466, %get3A_467, %get3A_468] {strides = array<i32>} : memref<3x128x128xf32, #tpu.memory_space<vmem>>, vector<1x1x16xf32>,
        %get3A_470 = vector.shape_cast %get3A_469 : vector<1x1x16xf32> to vector<16xf32>
        %get3A_471 = arith.constant 2 : i32
        %get3A_472 = arith.index_cast %get3A_471 : i32 to index
        %get3A_473 = arith.index_cast %add3A_410 : i32 to index
        %get3A_474 = arith.constant 64 : index
        %get3A_475 = tpu.vector_load %arg9[%get3A_472, %get3A_473, %get3A_474] {strides = array<i32>} : memref<3x128x128xf32, #tpu.memory_space<vmem>>, vector<1x1x16xf32>,
        %get3A_476 = vector.shape_cast %get3A_475 : vector<1x1x16xf32> to vector<16xf32>
        %mul3A_477 = arith.mulf %get3A_470, %get3A_476 : vector<16xf32>
        %add3A_478 = arith.addf %add3A_464, %mul3A_477 : vector<16xf32>
        %get3A_479 = arith.constant 2 : i32
        %get3A_480 = arith.index_cast %get3A_479 : i32 to index
        %get3A_481 = arith.index_cast %add3A_410 : i32 to index
        %get3A_482 = arith.constant 80 : index
        %get3A_483 = tpu.vector_load %arg8[%get3A_480, %get3A_481, %get3A_482] {strides = array<i32>} : memref<3x128x128xf32, #tpu.memory_space<vmem>>, vector<1x1x16xf32>,
        %get3A_484 = vector.shape_cast %get3A_483 : vector<1x1x16xf32> to vector<16xf32>
        %get3A_485 = arith.constant 2 : i32
        %get3A_486 = arith.index_cast %get3A_485 : i32 to index
        %get3A_487 = arith.index_cast %add3A_410 : i32 to index
        %get3A_488 = arith.constant 80 : index
        %get3A_489 = tpu.vector_load %arg9[%get3A_486, %get3A_487, %get3A_488] {strides = array<i32>} : memref<3x128x128xf32, #tpu.memory_space<vmem>>, vector<1x1x16xf32>,
        %get3A_490 = vector.shape_cast %get3A_489 : vector<1x1x16xf32> to vector<16xf32>
        %mul3A_491 = arith.mulf %get3A_484, %get3A_490 : vector<16xf32>
        %add3A_492 = arith.addf %add3A_478, %mul3A_491 : vector<16xf32>
        %get3A_493 = arith.constant 2 : i32
        %get3A_494 = arith.index_cast %get3A_493 : i32 to index
        %get3A_495 = arith.index_cast %add3A_410 : i32 to index
        %get3A_496 = arith.constant 96 : index
        %get3A_497 = tpu.vector_load %arg8[%get3A_494, %get3A_495, %get3A_496] {strides = array<i32>} : memref<3x128x128xf32, #tpu.memory_space<vmem>>, vector<1x1x16xf32>,
        %get3A_498 = vector.shape_cast %get3A_497 : vector<1x1x16xf32> to vector<16xf32>
        %get3A_499 = arith.constant 2 : i32
        %get3A_500 = arith.index_cast %get3A_499 : i32 to index
        %get3A_501 = arith.index_cast %add3A_410 : i32 to index
        %get3A_502 = arith.constant 96 : index
        %get3A_503 = tpu.vector_load %arg9[%get3A_500, %get3A_501, %get3A_502] {strides = array<i32>} : memref<3x128x128xf32, #tpu.memory_space<vmem>>, vector<1x1x16xf32>,
        %get3A_504 = vector.shape_cast %get3A_503 : vector<1x1x16xf32> to vector<16xf32>
        %mul3A_505 = arith.mulf %get3A_498, %get3A_504 : vector<16xf32>
        %add3A_506 = arith.addf %add3A_492, %mul3A_505 : vector<16xf32>
        %get3A_507 = arith.constant 2 : i32
        %get3A_508 = arith.index_cast %get3A_507 : i32 to index
        %get3A_509 = arith.index_cast %add3A_410 : i32 to index
        %get3A_510 = arith.constant 112 : index
        %get3A_511 = tpu.vector_load %arg8[%get3A_508, %get3A_509, %get3A_510] {strides = array<i32>} : memref<3x128x128xf32, #tpu.memory_space<vmem>>, vector<1x1x16xf32>,
        %get3A_512 = vector.shape_cast %get3A_511 : vector<1x1x16xf32> to vector<16xf32>
        %get3A_513 = arith.constant 2 : i32
        %get3A_514 = arith.index_cast %get3A_513 : i32 to index
        %get3A_515 = arith.index_cast %add3A_410 : i32 to index
        %get3A_516 = arith.constant 112 : index
        %get3A_517 = tpu.vector_load %arg9[%get3A_514, %get3A_515, %get3A_516] {strides = array<i32>} : memref<3x128x128xf32, #tpu.memory_space<vmem>>, vector<1x1x16xf32>,
        %get3A_518 = vector.shape_cast %get3A_517 : vector<1x1x16xf32> to vector<16xf32>
        %mul3A_519 = arith.mulf %get3A_512, %get3A_518 : vector<16xf32>
        %add3A_520 = arith.addf %add3A_506, %mul3A_519 : vector<16xf32>
        %broadcast_in_dim3A_521 = vector.shape_cast %xor3A_2 : vector<16xi32> to vector<16x1xi32>
        %gather3A = vector.shape_cast %broadcast_in_dim3A_521 : vector<16x1xi32> to vector<16xi32>
        %gather3A_522 = tpu.dynamic_gather %add3A_520[%gather3A] in [0] : vector<16xf32>, vector<16xi32> -> vector<16xf32>
        %add3A_523 = arith.addf %add3A_520, %gather3A_522 : vector<16xf32>
        %broadcast_in_dim3A_524 = vector.shape_cast %xor3A_5 : vector<16xi32> to vector<16x1xi32>
        %gather3A_525 = vector.shape_cast %broadcast_in_dim3A_524 : vector<16x1xi32> to vector<16xi32>
        %gather3A_526 = tpu.dynamic_gather %add3A_523[%gather3A_525] in [0] : vector<16xf32>, vector<16xi32> -> vector<16xf32>
        %add3A_527 = arith.addf %add3A_523, %gather3A_526 : vector<16xf32>
        %broadcast_in_dim3A_528 = vector.shape_cast %xor3A_8 : vector<16xi32> to vector<16x1xi32>
        %gather3A_529 = vector.shape_cast %broadcast_in_dim3A_528 : vector<16x1xi32> to vector<16xi32>
        %gather3A_530 = tpu.dynamic_gather %add3A_527[%gather3A_529] in [0] : vector<16xf32>, vector<16xi32> -> vector<16xf32>
        %add3A_531 = arith.addf %add3A_527, %gather3A_530 : vector<16xf32>
        %broadcast_in_dim3A_532 = vector.shape_cast %xor3A_11 : vector<16xi32> to vector<16x1xi32>
        %gather3A_533 = vector.shape_cast %broadcast_in_dim3A_532 : vector<16x1xi32> to vector<16xi32>
        %gather3A_534 = tpu.dynamic_gather %add3A_531[%gather3A_533] in [0] : vector<16xf32>, vector<16xi32> -> vector<16xf32>
        %add3A_535 = arith.addf %add3A_531, %gather3A_534 : vector<16xf32>
        %eq3A = vector.broadcast %scan3A_406 : i32 to vector<16xi32>
        %eq3A_536 = arith.cmpi eq, %iota3A, %eq3A : vector<16xi32>
        %select_n3A = arith.select %eq3A_536, %add3A_535, %scan3A_407 : vector<16xi1>, vector<16xf32>
        scf.yield %select_n3A : vector<16xf32>
      }
      %scan3A_398 = arith.constant 16 : i32
      %mul3A_399 = arith.constant 16 : i32
      %mul3A_400 = arith.muli %scan3A_391, %mul3A_399 : i32
      %add3A_401 = arith.constant 128 : i32
      %add3A_402 = arith.addi %add3A_401, %mul3A_400 : i32
      %swap3A = arith.index_cast %add3A_402 : i32 to index
      %swap3A_403 = tpu.vector_load %arg10[%swap3A] {strides = array<i32>} : memref<512xf32, #tpu.memory_space<vmem>>, vector<16xf32>,
      %swap3A_404 = vector.shape_cast %swap3A_403 : vector<16xf32> to vector<16xf32>
      %swap3A_405 = vector.shape_cast %scan3A_397 : vector<16xf32> to vector<16xf32>
      tpu.vector_store %arg10[%swap3A], %swap3A_405 {strides = array<i32>} : memref<512xf32, #tpu.memory_space<vmem>>, vector<16xf32>,
    }
    %scan3A_270 = arith.constant 8 : i32
    %mul3A_271 = arith.constant 512 : i32
    %mul3A_272 = arith.muli %add3A, %mul3A_271 : i32
    %add3A_273 = arith.constant 128 : i32
    %add3A_274 = arith.addi %mul3A_272, %add3A_273 : i32
    %dma_start3A_275 = arith.constant 128 : i32
    %dma_start3A_276 = tpu.memref_slice %arg10[%dma_start3A_275] : memref<512xf32, #tpu.memory_space<vmem>> -> memref<128xf32, #tpu.memory_space<vmem>>
    %dma_start3A_277 = tpu.memref_slice %arg5[%add3A_274] : memref<16384xf32, #tpu.memory_space<hbm>> -> memref<128xf32, #tpu.memory_space<hbm>>
    %dma_start3A_278 = tpu.memref_slice %arg5[%add3A_274] : memref<16384xf32, #tpu.memory_space<hbm>> -> memref<128xf32, #tpu.memory_space<hbm>>
    %dma_start3A_279 = arith.constant 128 : i32
    %dma_start3A_280 = tpu.memref_slice %arg10[%dma_start3A_279] : memref<512xf32, #tpu.memory_space<vmem>> -> memref<128xf32, #tpu.memory_space<vmem>>
    tpu.enqueue_dma source(%dma_start3A_280 : memref<128xf32, #tpu.memory_space<vmem>>) target(%dma_start3A_278 : memref<128xf32, #tpu.memory_space<hbm>>) target_semaphore(%arg14 : memref<!tpu.dma_semaphore, #tpu.memory_space<semaphore_mem>>)
    %dma_wait3A_281 = arith.constant 2 : i32
    %dma_wait3A_282 = arith.constant 0 : i32
    %dma_wait3A_283 = arith.constant 0 : i32
    %dma_wait3A_284 = arith.constant 0 : i32
    %dma_wait3A_285 = tpu.memref_slice %arg8[%dma_wait3A_282, %dma_wait3A_283, %dma_wait3A_284] : memref<3x128x128xf32, #tpu.memory_space<vmem>> -> memref<1x128x128xf32, #tpu.memory_space<vmem>>
    %dma_wait3A_286 = tpu.memref_squeeze %dma_wait3A_285 : memref<1x128x128xf32, #tpu.memory_space<vmem>> -> memref<128x128xf32, #tpu.memory_space<vmem>>
    %dma_wait3A_287 = arith.constant 0 : i32
    %dma_wait3A_288 = tpu.memref_slice %arg6[%dma_wait3A_281, %dma_wait3A_287] : memref<4x128xi32, #tpu.memory_space<vmem>> -> memref<1x128xi32, #tpu.memory_space<vmem>>
    %dma_wait3A_289 = tpu.memref_squeeze %dma_wait3A_288 : memref<1x128xi32, #tpu.memory_space<vmem>> -> memref<128xi32, #tpu.memory_space<vmem>>
    %dma_wait3A_290 = arith.constant 0 : i32
    %dma_wait3A_291 = arith.constant 0 : i32
    %dma_wait3A_292 = tpu.memref_slice %arg3[%dma_wait3A_290, %dma_wait3A_291] : memref<1000000x128xf32, #tpu.memory_space<hbm>> -> memref<1000000x128xf32, #tpu.memory_space<hbm>>
    tpu.wait_indirect_dma semaphore(%arg11 : memref<!tpu.dma_semaphore, #tpu.memory_space<semaphore_mem>>) src(%dma_wait3A_292 : memref<1000000x128xf32, #tpu.memory_space<hbm>>) dst(%dma_wait3A_286 : memref<128x128xf32, #tpu.memory_space<vmem>>)
    %dma_wait3A_293 = arith.constant 2 : i32
    %dma_wait3A_294 = arith.constant 0 : i32
    %dma_wait3A_295 = arith.constant 0 : i32
    %dma_wait3A_296 = arith.constant 0 : i32
    %dma_wait3A_297 = tpu.memref_slice %arg9[%dma_wait3A_294, %dma_wait3A_295, %dma_wait3A_296] : memref<3x128x128xf32, #tpu.memory_space<vmem>> -> memref<1x128x128xf32, #tpu.memory_space<vmem>>
    %dma_wait3A_298 = tpu.memref_squeeze %dma_wait3A_297 : memref<1x128x128xf32, #tpu.memory_space<vmem>> -> memref<128x128xf32, #tpu.memory_space<vmem>>
    %dma_wait3A_299 = arith.constant 0 : i32
    %dma_wait3A_300 = tpu.memref_slice %arg7[%dma_wait3A_293, %dma_wait3A_299] : memref<4x128xi32, #tpu.memory_space<vmem>> -> memref<1x128xi32, #tpu.memory_space<vmem>>
    %dma_wait3A_301 = tpu.memref_squeeze %dma_wait3A_300 : memref<1x128xi32, #tpu.memory_space<vmem>> -> memref<128xi32, #tpu.memory_space<vmem>>
    %dma_wait3A_302 = arith.constant 0 : i32
    %dma_wait3A_303 = arith.constant 0 : i32
    %dma_wait3A_304 = tpu.memref_slice %arg4[%dma_wait3A_302, %dma_wait3A_303] : memref<100000x128xf32, #tpu.memory_space<hbm>> -> memref<100000x128xf32, #tpu.memory_space<hbm>>
    tpu.wait_indirect_dma semaphore(%arg11 : memref<!tpu.dma_semaphore, #tpu.memory_space<semaphore_mem>>) src(%dma_wait3A_304 : memref<100000x128xf32, #tpu.memory_space<hbm>>) dst(%dma_wait3A_298 : memref<128x128xf32, #tpu.memory_space<vmem>>)
    %scan3A_305 = arith.constant 0 : i32
    %scan3A_306 = arith.constant 0 : i32
    %scan3A_307 = arith.constant 8 : i32
    %scan3A_308 = arith.addi %scan3A_306, %scan3A_307 : i32
    %scan3A_309 = arith.constant 1 : i32
    scf.for %scan3A_391 = %scan3A_306 to %scan3A_308 step %scan3A_309  : i32 {
      %broadcast_in_dim3A = arith.constant 0.000000e+00 : f32
      %broadcast_in_dim3A_392 = vector.broadcast %broadcast_in_dim3A : f32 to vector<16xf32>
      %scan3A_393 = arith.constant 0 : i32
      %scan3A_394 = arith.constant 16 : i32
      %scan3A_395 = arith.addi %scan3A_393, %scan3A_394 : i32
      %scan3A_396 = arith.constant 1 : i32
      %scan3A_397 = scf.for %scan3A_406 = %scan3A_393 to %scan3A_395 step %scan3A_396 iter_args(%scan3A_407 = %broadcast_in_dim3A_392) -> (vector<16xf32>)  : i32 {
        %mul3A_408 = arith.constant 16 : i32
        %mul3A_409 = arith.muli %scan3A_391, %mul3A_408 : i32
        %add3A_410 = arith.addi %mul3A_409, %scan3A_406 : i32
        %get3A = arith.constant 0 : i32
        %get3A_411 = arith.index_cast %get3A : i32 to index
        %get3A_412 = arith.index_cast %add3A_410 : i32 to index
        %get3A_413 = arith.constant 0 : index
        %get3A_414 = tpu.vector_load %arg8[%get3A_411, %get3A_412, %get3A_413] {strides = array<i32>} : memref<3x128x128xf32, #tpu.memory_space<vmem>>, vector<1x1x16xf32>,
        %get3A_415 = vector.shape_cast %get3A_414 : vector<1x1x16xf32> to vector<16xf32>
        %get3A_416 = arith.constant 0 : i32
        %get3A_417 = arith.index_cast %get3A_416 : i32 to index
        %get3A_418 = arith.index_cast %add3A_410 : i32 to index
        %get3A_419 = arith.constant 0 : index
        %get3A_420 = tpu.vector_load %arg9[%get3A_417, %get3A_418, %get3A_419] {strides = array<i32>} : memref<3x128x128xf32, #tpu.memory_space<vmem>>, vector<1x1x16xf32>,
        %get3A_421 = vector.shape_cast %get3A_420 : vector<1x1x16xf32> to vector<16xf32>
        %mul3A_422 = arith.mulf %get3A_415, %get3A_421 : vector<16xf32>
        %get3A_423 = arith.constant 0 : i32
        %get3A_424 = arith.index_cast %get3A_423 : i32 to index
        %get3A_425 = arith.index_cast %add3A_410 : i32 to index
        %get3A_426 = arith.constant 16 : index
        %get3A_427 = tpu.vector_load %arg8[%get3A_424, %get3A_425, %get3A_426] {strides = array<i32>} : memref<3x128x128xf32, #tpu.memory_space<vmem>>, vector<1x1x16xf32>,
        %get3A_428 = vector.shape_cast %get3A_427 : vector<1x1x16xf32> to vector<16xf32>
        %get3A_429 = arith.constant 0 : i32
        %get3A_430 = arith.index_cast %get3A_429 : i32 to index
        %get3A_431 = arith.index_cast %add3A_410 : i32 to index
        %get3A_432 = arith.constant 16 : index
        %get3A_433 = tpu.vector_load %arg9[%get3A_430, %get3A_431, %get3A_432] {strides = array<i32>} : memref<3x128x128xf32, #tpu.memory_space<vmem>>, vector<1x1x16xf32>,
        %get3A_434 = vector.shape_cast %get3A_433 : vector<1x1x16xf32> to vector<16xf32>
        %mul3A_435 = arith.mulf %get3A_428, %get3A_434 : vector<16xf32>
        %add3A_436 = arith.addf %mul3A_422, %mul3A_435 : vector<16xf32>
        %get3A_437 = arith.constant 0 : i32
        %get3A_438 = arith.index_cast %get3A_437 : i32 to index
        %get3A_439 = arith.index_cast %add3A_410 : i32 to index
        %get3A_440 = arith.constant 32 : index
        %get3A_441 = tpu.vector_load %arg8[%get3A_438, %get3A_439, %get3A_440] {strides = array<i32>} : memref<3x128x128xf32, #tpu.memory_space<vmem>>, vector<1x1x16xf32>,
        %get3A_442 = vector.shape_cast %get3A_441 : vector<1x1x16xf32> to vector<16xf32>
        %get3A_443 = arith.constant 0 : i32
        %get3A_444 = arith.index_cast %get3A_443 : i32 to index
        %get3A_445 = arith.index_cast %add3A_410 : i32 to index
        %get3A_446 = arith.constant 32 : index
        %get3A_447 = tpu.vector_load %arg9[%get3A_444, %get3A_445, %get3A_446] {strides = array<i32>} : memref<3x128x128xf32, #tpu.memory_space<vmem>>, vector<1x1x16xf32>,
        %get3A_448 = vector.shape_cast %get3A_447 : vector<1x1x16xf32> to vector<16xf32>
        %mul3A_449 = arith.mulf %get3A_442, %get3A_448 : vector<16xf32>
        %add3A_450 = arith.addf %add3A_436, %mul3A_449 : vector<16xf32>
        %get3A_451 = arith.constant 0 : i32
        %get3A_452 = arith.index_cast %get3A_451 : i32 to index
        %get3A_453 = arith.index_cast %add3A_410 : i32 to index
        %get3A_454 = arith.constant 48 : index
        %get3A_455 = tpu.vector_load %arg8[%get3A_452, %get3A_453, %get3A_454] {strides = array<i32>} : memref<3x128x128xf32, #tpu.memory_space<vmem>>, vector<1x1x16xf32>,
        %get3A_456 = vector.shape_cast %get3A_455 : vector<1x1x16xf32> to vector<16xf32>
        %get3A_457 = arith.constant 0 : i32
        %get3A_458 = arith.index_cast %get3A_457 : i32 to index
        %get3A_459 = arith.index_cast %add3A_410 : i32 to index
        %get3A_460 = arith.constant 48 : index
        %get3A_461 = tpu.vector_load %arg9[%get3A_458, %get3A_459, %get3A_460] {strides = array<i32>} : memref<3x128x128xf32, #tpu.memory_space<vmem>>, vector<1x1x16xf32>,
        %get3A_462 = vector.shape_cast %get3A_461 : vector<1x1x16xf32> to vector<16xf32>
        %mul3A_463 = arith.mulf %get3A_456, %get3A_462 : vector<16xf32>
        %add3A_464 = arith.addf %add3A_450, %mul3A_463 : vector<16xf32>
        %get3A_465 = arith.constant 0 : i32
        %get3A_466 = arith.index_cast %get3A_465 : i32 to index
        %get3A_467 = arith.index_cast %add3A_410 : i32 to index
        %get3A_468 = arith.constant 64 : index
        %get3A_469 = tpu.vector_load %arg8[%get3A_466, %get3A_467, %get3A_468] {strides = array<i32>} : memref<3x128x128xf32, #tpu.memory_space<vmem>>, vector<1x1x16xf32>,
        %get3A_470 = vector.shape_cast %get3A_469 : vector<1x1x16xf32> to vector<16xf32>
        %get3A_471 = arith.constant 0 : i32
        %get3A_472 = arith.index_cast %get3A_471 : i32 to index
        %get3A_473 = arith.index_cast %add3A_410 : i32 to index
        %get3A_474 = arith.constant 64 : index
        %get3A_475 = tpu.vector_load %arg9[%get3A_472, %get3A_473, %get3A_474] {strides = array<i32>} : memref<3x128x128xf32, #tpu.memory_space<vmem>>, vector<1x1x16xf32>,
        %get3A_476 = vector.shape_cast %get3A_475 : vector<1x1x16xf32> to vector<16xf32>
        %mul3A_477 = arith.mulf %get3A_470, %get3A_476 : vector<16xf32>
        %add3A_478 = arith.addf %add3A_464, %mul3A_477 : vector<16xf32>
        %get3A_479 = arith.constant 0 : i32
        %get3A_480 = arith.index_cast %get3A_479 : i32 to index
        %get3A_481 = arith.index_cast %add3A_410 : i32 to index
        %get3A_482 = arith.constant 80 : index
        %get3A_483 = tpu.vector_load %arg8[%get3A_480, %get3A_481, %get3A_482] {strides = array<i32>} : memref<3x128x128xf32, #tpu.memory_space<vmem>>, vector<1x1x16xf32>,
        %get3A_484 = vector.shape_cast %get3A_483 : vector<1x1x16xf32> to vector<16xf32>
        %get3A_485 = arith.constant 0 : i32
        %get3A_486 = arith.index_cast %get3A_485 : i32 to index
        %get3A_487 = arith.index_cast %add3A_410 : i32 to index
        %get3A_488 = arith.constant 80 : index
        %get3A_489 = tpu.vector_load %arg9[%get3A_486, %get3A_487, %get3A_488] {strides = array<i32>} : memref<3x128x128xf32, #tpu.memory_space<vmem>>, vector<1x1x16xf32>,
        %get3A_490 = vector.shape_cast %get3A_489 : vector<1x1x16xf32> to vector<16xf32>
        %mul3A_491 = arith.mulf %get3A_484, %get3A_490 : vector<16xf32>
        %add3A_492 = arith.addf %add3A_478, %mul3A_491 : vector<16xf32>
        %get3A_493 = arith.constant 0 : i32
        %get3A_494 = arith.index_cast %get3A_493 : i32 to index
        %get3A_495 = arith.index_cast %add3A_410 : i32 to index
        %get3A_496 = arith.constant 96 : index
        %get3A_497 = tpu.vector_load %arg8[%get3A_494, %get3A_495, %get3A_496] {strides = array<i32>} : memref<3x128x128xf32, #tpu.memory_space<vmem>>, vector<1x1x16xf32>,
        %get3A_498 = vector.shape_cast %get3A_497 : vector<1x1x16xf32> to vector<16xf32>
        %get3A_499 = arith.constant 0 : i32
        %get3A_500 = arith.index_cast %get3A_499 : i32 to index
        %get3A_501 = arith.index_cast %add3A_410 : i32 to index
        %get3A_502 = arith.constant 96 : index
        %get3A_503 = tpu.vector_load %arg9[%get3A_500, %get3A_501, %get3A_502] {strides = array<i32>} : memref<3x128x128xf32, #tpu.memory_space<vmem>>, vector<1x1x16xf32>,
        %get3A_504 = vector.shape_cast %get3A_503 : vector<1x1x16xf32> to vector<16xf32>
        %mul3A_505 = arith.mulf %get3A_498, %get3A_504 : vector<16xf32>
        %add3A_506 = arith.addf %add3A_492, %mul3A_505 : vector<16xf32>
        %get3A_507 = arith.constant 0 : i32
        %get3A_508 = arith.index_cast %get3A_507 : i32 to index
        %get3A_509 = arith.index_cast %add3A_410 : i32 to index
        %get3A_510 = arith.constant 112 : index
        %get3A_511 = tpu.vector_load %arg8[%get3A_508, %get3A_509, %get3A_510] {strides = array<i32>} : memref<3x128x128xf32, #tpu.memory_space<vmem>>, vector<1x1x16xf32>,
        %get3A_512 = vector.shape_cast %get3A_511 : vector<1x1x16xf32> to vector<16xf32>
        %get3A_513 = arith.constant 0 : i32
        %get3A_514 = arith.index_cast %get3A_513 : i32 to index
        %get3A_515 = arith.index_cast %add3A_410 : i32 to index
        %get3A_516 = arith.constant 112 : index
        %get3A_517 = tpu.vector_load %arg9[%get3A_514, %get3A_515, %get3A_516] {strides = array<i32>} : memref<3x128x128xf32, #tpu.memory_space<vmem>>, vector<1x1x16xf32>,
        %get3A_518 = vector.shape_cast %get3A_517 : vector<1x1x16xf32> to vector<16xf32>
        %mul3A_519 = arith.mulf %get3A_512, %get3A_518 : vector<16xf32>
        %add3A_520 = arith.addf %add3A_506, %mul3A_519 : vector<16xf32>
        %broadcast_in_dim3A_521 = vector.shape_cast %xor3A_2 : vector<16xi32> to vector<16x1xi32>
        %gather3A = vector.shape_cast %broadcast_in_dim3A_521 : vector<16x1xi32> to vector<16xi32>
        %gather3A_522 = tpu.dynamic_gather %add3A_520[%gather3A] in [0] : vector<16xf32>, vector<16xi32> -> vector<16xf32>
        %add3A_523 = arith.addf %add3A_520, %gather3A_522 : vector<16xf32>
        %broadcast_in_dim3A_524 = vector.shape_cast %xor3A_5 : vector<16xi32> to vector<16x1xi32>
        %gather3A_525 = vector.shape_cast %broadcast_in_dim3A_524 : vector<16x1xi32> to vector<16xi32>
        %gather3A_526 = tpu.dynamic_gather %add3A_523[%gather3A_525] in [0] : vector<16xf32>, vector<16xi32> -> vector<16xf32>
        %add3A_527 = arith.addf %add3A_523, %gather3A_526 : vector<16xf32>
        %broadcast_in_dim3A_528 = vector.shape_cast %xor3A_8 : vector<16xi32> to vector<16x1xi32>
        %gather3A_529 = vector.shape_cast %broadcast_in_dim3A_528 : vector<16x1xi32> to vector<16xi32>
        %gather3A_530 = tpu.dynamic_gather %add3A_527[%gather3A_529] in [0] : vector<16xf32>, vector<16xi32> -> vector<16xf32>
        %add3A_531 = arith.addf %add3A_527, %gather3A_530 : vector<16xf32>
        %broadcast_in_dim3A_532 = vector.shape_cast %xor3A_11 : vector<16xi32> to vector<16x1xi32>
        %gather3A_533 = vector.shape_cast %broadcast_in_dim3A_532 : vector<16x1xi32> to vector<16xi32>
        %gather3A_534 = tpu.dynamic_gather %add3A_531[%gather3A_533] in [0] : vector<16xf32>, vector<16xi32> -> vector<16xf32>
        %add3A_535 = arith.addf %add3A_531, %gather3A_534 : vector<16xf32>
        %eq3A = vector.broadcast %scan3A_406 : i32 to vector<16xi32>
        %eq3A_536 = arith.cmpi eq, %iota3A, %eq3A : vector<16xi32>
        %select_n3A = arith.select %eq3A_536, %add3A_535, %scan3A_407 : vector<16xi1>, vector<16xf32>
        scf.yield %select_n3A : vector<16xf32>
      }
      %scan3A_398 = arith.constant 16 : i32
      %mul3A_399 = arith.constant 16 : i32
      %mul3A_400 = arith.muli %scan3A_391, %mul3A_399 : i32
      %add3A_401 = arith.constant 256 : i32
      %add3A_402 = arith.addi %add3A_401, %mul3A_400 : i32
      %swap3A = arith.index_cast %add3A_402 : i32 to index
      %swap3A_403 = tpu.vector_load %arg10[%swap3A] {strides = array<i32>} : memref<512xf32, #tpu.memory_space<vmem>>, vector<16xf32>,
      %swap3A_404 = vector.shape_cast %swap3A_403 : vector<16xf32> to vector<16xf32>
      %swap3A_405 = vector.shape_cast %scan3A_397 : vector<16xf32> to vector<16xf32>
      tpu.vector_store %arg10[%swap3A], %swap3A_405 {strides = array<i32>} : memref<512xf32, #tpu.memory_space<vmem>>, vector<16xf32>,
    }
    %scan3A_310 = arith.constant 8 : i32
    %mul3A_311 = arith.constant 512 : i32
    %mul3A_312 = arith.muli %add3A, %mul3A_311 : i32
    %add3A_313 = arith.constant 256 : i32
    %add3A_314 = arith.addi %mul3A_312, %add3A_313 : i32
    %dma_start3A_315 = arith.constant 256 : i32
    %dma_start3A_316 = tpu.memref_slice %arg10[%dma_start3A_315] : memref<512xf32, #tpu.memory_space<vmem>> -> memref<128xf32, #tpu.memory_space<vmem>>
    %dma_start3A_317 = tpu.memref_slice %arg5[%add3A_314] : memref<16384xf32, #tpu.memory_space<hbm>> -> memref<128xf32, #tpu.memory_space<hbm>>
    %dma_start3A_318 = tpu.memref_slice %arg5[%add3A_314] : memref<16384xf32, #tpu.memory_space<hbm>> -> memref<128xf32, #tpu.memory_space<hbm>>
    %dma_start3A_319 = arith.constant 256 : i32
    %dma_start3A_320 = tpu.memref_slice %arg10[%dma_start3A_319] : memref<512xf32, #tpu.memory_space<vmem>> -> memref<128xf32, #tpu.memory_space<vmem>>
    tpu.enqueue_dma source(%dma_start3A_320 : memref<128xf32, #tpu.memory_space<vmem>>) target(%dma_start3A_318 : memref<128xf32, #tpu.memory_space<hbm>>) target_semaphore(%arg14 : memref<!tpu.dma_semaphore, #tpu.memory_space<semaphore_mem>>)
    %dma_wait3A_321 = arith.constant 3 : i32
    %dma_wait3A_322 = arith.constant 1 : i32
    %dma_wait3A_323 = arith.constant 0 : i32
    %dma_wait3A_324 = arith.constant 0 : i32
    %dma_wait3A_325 = tpu.memref_slice %arg8[%dma_wait3A_322, %dma_wait3A_323, %dma_wait3A_324] : memref<3x128x128xf32, #tpu.memory_space<vmem>> -> memref<1x128x128xf32, #tpu.memory_space<vmem>>
    %dma_wait3A_326 = tpu.memref_squeeze %dma_wait3A_325 : memref<1x128x128xf32, #tpu.memory_space<vmem>> -> memref<128x128xf32, #tpu.memory_space<vmem>>
    %dma_wait3A_327 = arith.constant 0 : i32
    %dma_wait3A_328 = tpu.memref_slice %arg6[%dma_wait3A_321, %dma_wait3A_327] : memref<4x128xi32, #tpu.memory_space<vmem>> -> memref<1x128xi32, #tpu.memory_space<vmem>>
    %dma_wait3A_329 = tpu.memref_squeeze %dma_wait3A_328 : memref<1x128xi32, #tpu.memory_space<vmem>> -> memref<128xi32, #tpu.memory_space<vmem>>
    %dma_wait3A_330 = arith.constant 0 : i32
    %dma_wait3A_331 = arith.constant 0 : i32
    %dma_wait3A_332 = tpu.memref_slice %arg3[%dma_wait3A_330, %dma_wait3A_331] : memref<1000000x128xf32, #tpu.memory_space<hbm>> -> memref<1000000x128xf32, #tpu.memory_space<hbm>>
    tpu.wait_indirect_dma semaphore(%arg12 : memref<!tpu.dma_semaphore, #tpu.memory_space<semaphore_mem>>) src(%dma_wait3A_332 : memref<1000000x128xf32, #tpu.memory_space<hbm>>) dst(%dma_wait3A_326 : memref<128x128xf32, #tpu.memory_space<vmem>>)
    %dma_wait3A_333 = arith.constant 3 : i32
    %dma_wait3A_334 = arith.constant 1 : i32
    %dma_wait3A_335 = arith.constant 0 : i32
    %dma_wait3A_336 = arith.constant 0 : i32
    %dma_wait3A_337 = tpu.memref_slice %arg9[%dma_wait3A_334, %dma_wait3A_335, %dma_wait3A_336] : memref<3x128x128xf32, #tpu.memory_space<vmem>> -> memref<1x128x128xf32, #tpu.memory_space<vmem>>
    %dma_wait3A_338 = tpu.memref_squeeze %dma_wait3A_337 : memref<1x128x128xf32, #tpu.memory_space<vmem>> -> memref<128x128xf32, #tpu.memory_space<vmem>>
    %dma_wait3A_339 = arith.constant 0 : i32
    %dma_wait3A_340 = tpu.memref_slice %arg7[%dma_wait3A_333, %dma_wait3A_339] : memref<4x128xi32, #tpu.memory_space<vmem>> -> memref<1x128xi32, #tpu.memory_space<vmem>>
    %dma_wait3A_341 = tpu.memref_squeeze %dma_wait3A_340 : memref<1x128xi32, #tpu.memory_space<vmem>> -> memref<128xi32, #tpu.memory_space<vmem>>
    %dma_wait3A_342 = arith.constant 0 : i32
    %dma_wait3A_343 = arith.constant 0 : i32
    %dma_wait3A_344 = tpu.memref_slice %arg4[%dma_wait3A_342, %dma_wait3A_343] : memref<100000x128xf32, #tpu.memory_space<hbm>> -> memref<100000x128xf32, #tpu.memory_space<hbm>>
    tpu.wait_indirect_dma semaphore(%arg12 : memref<!tpu.dma_semaphore, #tpu.memory_space<semaphore_mem>>) src(%dma_wait3A_344 : memref<100000x128xf32, #tpu.memory_space<hbm>>) dst(%dma_wait3A_338 : memref<128x128xf32, #tpu.memory_space<vmem>>)
    %scan3A_345 = arith.constant 0 : i32
    %scan3A_346 = arith.constant 0 : i32
    %scan3A_347 = arith.constant 8 : i32
    %scan3A_348 = arith.addi %scan3A_346, %scan3A_347 : i32
    %scan3A_349 = arith.constant 1 : i32
    scf.for %scan3A_391 = %scan3A_346 to %scan3A_348 step %scan3A_349  : i32 {
      %broadcast_in_dim3A = arith.constant 0.000000e+00 : f32
      %broadcast_in_dim3A_392 = vector.broadcast %broadcast_in_dim3A : f32 to vector<16xf32>
      %scan3A_393 = arith.constant 0 : i32
      %scan3A_394 = arith.constant 16 : i32
      %scan3A_395 = arith.addi %scan3A_393, %scan3A_394 : i32
      %scan3A_396 = arith.constant 1 : i32
      %scan3A_397 = scf.for %scan3A_406 = %scan3A_393 to %scan3A_395 step %scan3A_396 iter_args(%scan3A_407 = %broadcast_in_dim3A_392) -> (vector<16xf32>)  : i32 {
        %mul3A_408 = arith.constant 16 : i32
        %mul3A_409 = arith.muli %scan3A_391, %mul3A_408 : i32
        %add3A_410 = arith.addi %mul3A_409, %scan3A_406 : i32
        %get3A = arith.constant 1 : i32
        %get3A_411 = arith.index_cast %get3A : i32 to index
        %get3A_412 = arith.index_cast %add3A_410 : i32 to index
        %get3A_413 = arith.constant 0 : index
        %get3A_414 = tpu.vector_load %arg8[%get3A_411, %get3A_412, %get3A_413] {strides = array<i32>} : memref<3x128x128xf32, #tpu.memory_space<vmem>>, vector<1x1x16xf32>,
        %get3A_415 = vector.shape_cast %get3A_414 : vector<1x1x16xf32> to vector<16xf32>
        %get3A_416 = arith.constant 1 : i32
        %get3A_417 = arith.index_cast %get3A_416 : i32 to index
        %get3A_418 = arith.index_cast %add3A_410 : i32 to index
        %get3A_419 = arith.constant 0 : index
        %get3A_420 = tpu.vector_load %arg9[%get3A_417, %get3A_418, %get3A_419] {strides = array<i32>} : memref<3x128x128xf32, #tpu.memory_space<vmem>>, vector<1x1x16xf32>,
        %get3A_421 = vector.shape_cast %get3A_420 : vector<1x1x16xf32> to vector<16xf32>
        %mul3A_422 = arith.mulf %get3A_415, %get3A_421 : vector<16xf32>
        %get3A_423 = arith.constant 1 : i32
        %get3A_424 = arith.index_cast %get3A_423 : i32 to index
        %get3A_425 = arith.index_cast %add3A_410 : i32 to index
        %get3A_426 = arith.constant 16 : index
        %get3A_427 = tpu.vector_load %arg8[%get3A_424, %get3A_425, %get3A_426] {strides = array<i32>} : memref<3x128x128xf32, #tpu.memory_space<vmem>>, vector<1x1x16xf32>,
        %get3A_428 = vector.shape_cast %get3A_427 : vector<1x1x16xf32> to vector<16xf32>
        %get3A_429 = arith.constant 1 : i32
        %get3A_430 = arith.index_cast %get3A_429 : i32 to index
        %get3A_431 = arith.index_cast %add3A_410 : i32 to index
        %get3A_432 = arith.constant 16 : index
        %get3A_433 = tpu.vector_load %arg9[%get3A_430, %get3A_431, %get3A_432] {strides = array<i32>} : memref<3x128x128xf32, #tpu.memory_space<vmem>>, vector<1x1x16xf32>,
        %get3A_434 = vector.shape_cast %get3A_433 : vector<1x1x16xf32> to vector<16xf32>
        %mul3A_435 = arith.mulf %get3A_428, %get3A_434 : vector<16xf32>
        %add3A_436 = arith.addf %mul3A_422, %mul3A_435 : vector<16xf32>
        %get3A_437 = arith.constant 1 : i32
        %get3A_438 = arith.index_cast %get3A_437 : i32 to index
        %get3A_439 = arith.index_cast %add3A_410 : i32 to index
        %get3A_440 = arith.constant 32 : index
        %get3A_441 = tpu.vector_load %arg8[%get3A_438, %get3A_439, %get3A_440] {strides = array<i32>} : memref<3x128x128xf32, #tpu.memory_space<vmem>>, vector<1x1x16xf32>,
        %get3A_442 = vector.shape_cast %get3A_441 : vector<1x1x16xf32> to vector<16xf32>
        %get3A_443 = arith.constant 1 : i32
        %get3A_444 = arith.index_cast %get3A_443 : i32 to index
        %get3A_445 = arith.index_cast %add3A_410 : i32 to index
        %get3A_446 = arith.constant 32 : index
        %get3A_447 = tpu.vector_load %arg9[%get3A_444, %get3A_445, %get3A_446] {strides = array<i32>} : memref<3x128x128xf32, #tpu.memory_space<vmem>>, vector<1x1x16xf32>,
        %get3A_448 = vector.shape_cast %get3A_447 : vector<1x1x16xf32> to vector<16xf32>
        %mul3A_449 = arith.mulf %get3A_442, %get3A_448 : vector<16xf32>
        %add3A_450 = arith.addf %add3A_436, %mul3A_449 : vector<16xf32>
        %get3A_451 = arith.constant 1 : i32
        %get3A_452 = arith.index_cast %get3A_451 : i32 to index
        %get3A_453 = arith.index_cast %add3A_410 : i32 to index
        %get3A_454 = arith.constant 48 : index
        %get3A_455 = tpu.vector_load %arg8[%get3A_452, %get3A_453, %get3A_454] {strides = array<i32>} : memref<3x128x128xf32, #tpu.memory_space<vmem>>, vector<1x1x16xf32>,
        %get3A_456 = vector.shape_cast %get3A_455 : vector<1x1x16xf32> to vector<16xf32>
        %get3A_457 = arith.constant 1 : i32
        %get3A_458 = arith.index_cast %get3A_457 : i32 to index
        %get3A_459 = arith.index_cast %add3A_410 : i32 to index
        %get3A_460 = arith.constant 48 : index
        %get3A_461 = tpu.vector_load %arg9[%get3A_458, %get3A_459, %get3A_460] {strides = array<i32>} : memref<3x128x128xf32, #tpu.memory_space<vmem>>, vector<1x1x16xf32>,
        %get3A_462 = vector.shape_cast %get3A_461 : vector<1x1x16xf32> to vector<16xf32>
        %mul3A_463 = arith.mulf %get3A_456, %get3A_462 : vector<16xf32>
        %add3A_464 = arith.addf %add3A_450, %mul3A_463 : vector<16xf32>
        %get3A_465 = arith.constant 1 : i32
        %get3A_466 = arith.index_cast %get3A_465 : i32 to index
        %get3A_467 = arith.index_cast %add3A_410 : i32 to index
        %get3A_468 = arith.constant 64 : index
        %get3A_469 = tpu.vector_load %arg8[%get3A_466, %get3A_467, %get3A_468] {strides = array<i32>} : memref<3x128x128xf32, #tpu.memory_space<vmem>>, vector<1x1x16xf32>,
        %get3A_470 = vector.shape_cast %get3A_469 : vector<1x1x16xf32> to vector<16xf32>
        %get3A_471 = arith.constant 1 : i32
        %get3A_472 = arith.index_cast %get3A_471 : i32 to index
        %get3A_473 = arith.index_cast %add3A_410 : i32 to index
        %get3A_474 = arith.constant 64 : index
        %get3A_475 = tpu.vector_load %arg9[%get3A_472, %get3A_473, %get3A_474] {strides = array<i32>} : memref<3x128x128xf32, #tpu.memory_space<vmem>>, vector<1x1x16xf32>,
        %get3A_476 = vector.shape_cast %get3A_475 : vector<1x1x16xf32> to vector<16xf32>
        %mul3A_477 = arith.mulf %get3A_470, %get3A_476 : vector<16xf32>
        %add3A_478 = arith.addf %add3A_464, %mul3A_477 : vector<16xf32>
        %get3A_479 = arith.constant 1 : i32
        %get3A_480 = arith.index_cast %get3A_479 : i32 to index
        %get3A_481 = arith.index_cast %add3A_410 : i32 to index
        %get3A_482 = arith.constant 80 : index
        %get3A_483 = tpu.vector_load %arg8[%get3A_480, %get3A_481, %get3A_482] {strides = array<i32>} : memref<3x128x128xf32, #tpu.memory_space<vmem>>, vector<1x1x16xf32>,
        %get3A_484 = vector.shape_cast %get3A_483 : vector<1x1x16xf32> to vector<16xf32>
        %get3A_485 = arith.constant 1 : i32
        %get3A_486 = arith.index_cast %get3A_485 : i32 to index
        %get3A_487 = arith.index_cast %add3A_410 : i32 to index
        %get3A_488 = arith.constant 80 : index
        %get3A_489 = tpu.vector_load %arg9[%get3A_486, %get3A_487, %get3A_488] {strides = array<i32>} : memref<3x128x128xf32, #tpu.memory_space<vmem>>, vector<1x1x16xf32>,
        %get3A_490 = vector.shape_cast %get3A_489 : vector<1x1x16xf32> to vector<16xf32>
        %mul3A_491 = arith.mulf %get3A_484, %get3A_490 : vector<16xf32>
        %add3A_492 = arith.addf %add3A_478, %mul3A_491 : vector<16xf32>
        %get3A_493 = arith.constant 1 : i32
        %get3A_494 = arith.index_cast %get3A_493 : i32 to index
        %get3A_495 = arith.index_cast %add3A_410 : i32 to index
        %get3A_496 = arith.constant 96 : index
        %get3A_497 = tpu.vector_load %arg8[%get3A_494, %get3A_495, %get3A_496] {strides = array<i32>} : memref<3x128x128xf32, #tpu.memory_space<vmem>>, vector<1x1x16xf32>,
        %get3A_498 = vector.shape_cast %get3A_497 : vector<1x1x16xf32> to vector<16xf32>
        %get3A_499 = arith.constant 1 : i32
        %get3A_500 = arith.index_cast %get3A_499 : i32 to index
        %get3A_501 = arith.index_cast %add3A_410 : i32 to index
        %get3A_502 = arith.constant 96 : index
        %get3A_503 = tpu.vector_load %arg9[%get3A_500, %get3A_501, %get3A_502] {strides = array<i32>} : memref<3x128x128xf32, #tpu.memory_space<vmem>>, vector<1x1x16xf32>,
        %get3A_504 = vector.shape_cast %get3A_503 : vector<1x1x16xf32> to vector<16xf32>
        %mul3A_505 = arith.mulf %get3A_498, %get3A_504 : vector<16xf32>
        %add3A_506 = arith.addf %add3A_492, %mul3A_505 : vector<16xf32>
        %get3A_507 = arith.constant 1 : i32
        %get3A_508 = arith.index_cast %get3A_507 : i32 to index
        %get3A_509 = arith.index_cast %add3A_410 : i32 to index
        %get3A_510 = arith.constant 112 : index
        %get3A_511 = tpu.vector_load %arg8[%get3A_508, %get3A_509, %get3A_510] {strides = array<i32>} : memref<3x128x128xf32, #tpu.memory_space<vmem>>, vector<1x1x16xf32>,
        %get3A_512 = vector.shape_cast %get3A_511 : vector<1x1x16xf32> to vector<16xf32>
        %get3A_513 = arith.constant 1 : i32
        %get3A_514 = arith.index_cast %get3A_513 : i32 to index
        %get3A_515 = arith.index_cast %add3A_410 : i32 to index
        %get3A_516 = arith.constant 112 : index
        %get3A_517 = tpu.vector_load %arg9[%get3A_514, %get3A_515, %get3A_516] {strides = array<i32>} : memref<3x128x128xf32, #tpu.memory_space<vmem>>, vector<1x1x16xf32>,
        %get3A_518 = vector.shape_cast %get3A_517 : vector<1x1x16xf32> to vector<16xf32>
        %mul3A_519 = arith.mulf %get3A_512, %get3A_518 : vector<16xf32>
        %add3A_520 = arith.addf %add3A_506, %mul3A_519 : vector<16xf32>
        %broadcast_in_dim3A_521 = vector.shape_cast %xor3A_2 : vector<16xi32> to vector<16x1xi32>
        %gather3A = vector.shape_cast %broadcast_in_dim3A_521 : vector<16x1xi32> to vector<16xi32>
        %gather3A_522 = tpu.dynamic_gather %add3A_520[%gather3A] in [0] : vector<16xf32>, vector<16xi32> -> vector<16xf32>
        %add3A_523 = arith.addf %add3A_520, %gather3A_522 : vector<16xf32>
        %broadcast_in_dim3A_524 = vector.shape_cast %xor3A_5 : vector<16xi32> to vector<16x1xi32>
        %gather3A_525 = vector.shape_cast %broadcast_in_dim3A_524 : vector<16x1xi32> to vector<16xi32>
        %gather3A_526 = tpu.dynamic_gather %add3A_523[%gather3A_525] in [0] : vector<16xf32>, vector<16xi32> -> vector<16xf32>
        %add3A_527 = arith.addf %add3A_523, %gather3A_526 : vector<16xf32>
        %broadcast_in_dim3A_528 = vector.shape_cast %xor3A_8 : vector<16xi32> to vector<16x1xi32>
        %gather3A_529 = vector.shape_cast %broadcast_in_dim3A_528 : vector<16x1xi32> to vector<16xi32>
        %gather3A_530 = tpu.dynamic_gather %add3A_527[%gather3A_529] in [0] : vector<16xf32>, vector<16xi32> -> vector<16xf32>
        %add3A_531 = arith.addf %add3A_527, %gather3A_530 : vector<16xf32>
        %broadcast_in_dim3A_532 = vector.shape_cast %xor3A_11 : vector<16xi32> to vector<16x1xi32>
        %gather3A_533 = vector.shape_cast %broadcast_in_dim3A_532 : vector<16x1xi32> to vector<16xi32>
        %gather3A_534 = tpu.dynamic_gather %add3A_531[%gather3A_533] in [0] : vector<16xf32>, vector<16xi32> -> vector<16xf32>
        %add3A_535 = arith.addf %add3A_531, %gather3A_534 : vector<16xf32>
        %eq3A = vector.broadcast %scan3A_406 : i32 to vector<16xi32>
        %eq3A_536 = arith.cmpi eq, %iota3A, %eq3A : vector<16xi32>
        %select_n3A = arith.select %eq3A_536, %add3A_535, %scan3A_407 : vector<16xi1>, vector<16xf32>
        scf.yield %select_n3A : vector<16xf32>
      }
      %scan3A_398 = arith.constant 16 : i32
      %mul3A_399 = arith.constant 16 : i32
      %mul3A_400 = arith.muli %scan3A_391, %mul3A_399 : i32
      %add3A_401 = arith.constant 384 : i32
      %add3A_402 = arith.addi %add3A_401, %mul3A_400 : i32
      %swap3A = arith.index_cast %add3A_402 : i32 to index
      %swap3A_403 = tpu.vector_load %arg10[%swap3A] {strides = array<i32>} : memref<512xf32, #tpu.memory_space<vmem>>, vector<16xf32>,
      %swap3A_404 = vector.shape_cast %swap3A_403 : vector<16xf32> to vector<16xf32>
      %swap3A_405 = vector.shape_cast %scan3A_397 : vector<16xf32> to vector<16xf32>
      tpu.vector_store %arg10[%swap3A], %swap3A_405 {strides = array<i32>} : memref<512xf32, #tpu.memory_space<vmem>>, vector<16xf32>,
    }
    %scan3A_350 = arith.constant 8 : i32
    %mul3A_351 = arith.constant 512 : i32
    %mul3A_352 = arith.muli %add3A, %mul3A_351 : i32
    %add3A_353 = arith.constant 384 : i32
    %add3A_354 = arith.addi %mul3A_352, %add3A_353 : i32
    %dma_start3A_355 = arith.constant 384 : i32
    %dma_start3A_356 = tpu.memref_slice %arg10[%dma_start3A_355] : memref<512xf32, #tpu.memory_space<vmem>> -> memref<128xf32, #tpu.memory_space<vmem>>
    %dma_start3A_357 = tpu.memref_slice %arg5[%add3A_354] : memref<16384xf32, #tpu.memory_space<hbm>> -> memref<128xf32, #tpu.memory_space<hbm>>
    %dma_start3A_358 = tpu.memref_slice %arg5[%add3A_354] : memref<16384xf32, #tpu.memory_space<hbm>> -> memref<128xf32, #tpu.memory_space<hbm>>
    %dma_start3A_359 = arith.constant 384 : i32
    %dma_start3A_360 = tpu.memref_slice %arg10[%dma_start3A_359] : memref<512xf32, #tpu.memory_space<vmem>> -> memref<128xf32, #tpu.memory_space<vmem>>
    tpu.enqueue_dma source(%dma_start3A_360 : memref<128xf32, #tpu.memory_space<vmem>>) target(%dma_start3A_358 : memref<128xf32, #tpu.memory_space<hbm>>) target_semaphore(%arg14 : memref<!tpu.dma_semaphore, #tpu.memory_space<semaphore_mem>>)
    %dma_wait3A_361 = arith.constant 0 : i32
    %dma_wait3A_362 = tpu.memref_slice %arg10[%dma_wait3A_361] : memref<512xf32, #tpu.memory_space<vmem>> -> memref<32xf32, #tpu.memory_space<vmem>>
    %dma_wait3A_363 = tpu.memref_slice %arg5[%add3A_170] : memref<16384xf32, #tpu.memory_space<hbm>> -> memref<32xf32, #tpu.memory_space<hbm>>
    %dma_wait3A_364 = tpu.memref_slice %arg5[%add3A_170] : memref<16384xf32, #tpu.memory_space<hbm>> -> memref<32xf32, #tpu.memory_space<hbm>>
    %dma_wait3A_365 = arith.constant 0 : i32
    %dma_wait3A_366 = tpu.memref_slice %arg10[%dma_wait3A_365] : memref<512xf32, #tpu.memory_space<vmem>> -> memref<32xf32, #tpu.memory_space<vmem>>
    tpu.wait_dma2 semaphore(%arg14 : memref<!tpu.dma_semaphore, #tpu.memory_space<semaphore_mem>>) src(%dma_wait3A_366 : memref<32xf32, #tpu.memory_space<vmem>>) dst(%dma_wait3A_364 : memref<32xf32, #tpu.memory_space<hbm>>)
    %dma_wait3A_367 = arith.constant 32 : i32
    %dma_wait3A_368 = tpu.memref_slice %arg10[%dma_wait3A_367] : memref<512xf32, #tpu.memory_space<vmem>> -> memref<96xf32, #tpu.memory_space<vmem>>
    %dma_wait3A_369 = tpu.memref_slice %arg5[%add3A_234] : memref<16384xf32, #tpu.memory_space<hbm>> -> memref<96xf32, #tpu.memory_space<hbm>>
    %dma_wait3A_370 = tpu.memref_slice %arg5[%add3A_234] : memref<16384xf32, #tpu.memory_space<hbm>> -> memref<96xf32, #tpu.memory_space<hbm>>
    %dma_wait3A_371 = arith.constant 32 : i32
    %dma_wait3A_372 = tpu.memref_slice %arg10[%dma_wait3A_371] : memref<512xf32, #tpu.memory_space<vmem>> -> memref<96xf32, #tpu.memory_space<vmem>>
    tpu.wait_dma2 semaphore(%arg14 : memref<!tpu.dma_semaphore, #tpu.memory_space<semaphore_mem>>) src(%dma_wait3A_372 : memref<96xf32, #tpu.memory_space<vmem>>) dst(%dma_wait3A_370 : memref<96xf32, #tpu.memory_space<hbm>>)
    %dma_wait3A_373 = arith.constant 128 : i32
    %dma_wait3A_374 = tpu.memref_slice %arg10[%dma_wait3A_373] : memref<512xf32, #tpu.memory_space<vmem>> -> memref<128xf32, #tpu.memory_space<vmem>>
    %dma_wait3A_375 = tpu.memref_slice %arg5[%add3A_274] : memref<16384xf32, #tpu.memory_space<hbm>> -> memref<128xf32, #tpu.memory_space<hbm>>
    %dma_wait3A_376 = tpu.memref_slice %arg5[%add3A_274] : memref<16384xf32, #tpu.memory_space<hbm>> -> memref<128xf32, #tpu.memory_space<hbm>>
    %dma_wait3A_377 = arith.constant 128 : i32
    %dma_wait3A_378 = tpu.memref_slice %arg10[%dma_wait3A_377] : memref<512xf32, #tpu.memory_space<vmem>> -> memref<128xf32, #tpu.memory_space<vmem>>
    tpu.wait_dma2 semaphore(%arg14 : memref<!tpu.dma_semaphore, #tpu.memory_space<semaphore_mem>>) src(%dma_wait3A_378 : memref<128xf32, #tpu.memory_space<vmem>>) dst(%dma_wait3A_376 : memref<128xf32, #tpu.memory_space<hbm>>)
    %dma_wait3A_379 = arith.constant 256 : i32
    %dma_wait3A_380 = tpu.memref_slice %arg10[%dma_wait3A_379] : memref<512xf32, #tpu.memory_space<vmem>> -> memref<128xf32, #tpu.memory_space<vmem>>
    %dma_wait3A_381 = tpu.memref_slice %arg5[%add3A_314] : memref<16384xf32, #tpu.memory_space<hbm>> -> memref<128xf32, #tpu.memory_space<hbm>>
    %dma_wait3A_382 = tpu.memref_slice %arg5[%add3A_314] : memref<16384xf32, #tpu.memory_space<hbm>> -> memref<128xf32, #tpu.memory_space<hbm>>
    %dma_wait3A_383 = arith.constant 256 : i32
    %dma_wait3A_384 = tpu.memref_slice %arg10[%dma_wait3A_383] : memref<512xf32, #tpu.memory_space<vmem>> -> memref<128xf32, #tpu.memory_space<vmem>>
    tpu.wait_dma2 semaphore(%arg14 : memref<!tpu.dma_semaphore, #tpu.memory_space<semaphore_mem>>) src(%dma_wait3A_384 : memref<128xf32, #tpu.memory_space<vmem>>) dst(%dma_wait3A_382 : memref<128xf32, #tpu.memory_space<hbm>>)
    %dma_wait3A_385 = arith.constant 384 : i32
    %dma_wait3A_386 = tpu.memref_slice %arg10[%dma_wait3A_385] : memref<512xf32, #tpu.memory_space<vmem>> -> memref<128xf32, #tpu.memory_space<vmem>>
    %dma_wait3A_387 = tpu.memref_slice %arg5[%add3A_354] : memref<16384xf32, #tpu.memory_space<hbm>> -> memref<128xf32, #tpu.memory_space<hbm>>
    %dma_wait3A_388 = tpu.memref_slice %arg5[%add3A_354] : memref<16384xf32, #tpu.memory_space<hbm>> -> memref<128xf32, #tpu.memory_space<hbm>>
    %dma_wait3A_389 = arith.constant 384 : i32
    %dma_wait3A_390 = tpu.memref_slice %arg10[%dma_wait3A_389] : memref<512xf32, #tpu.memory_space<vmem>> -> memref<128xf32, #tpu.memory_space<vmem>>
    tpu.wait_dma2 semaphore(%arg14 : memref<!tpu.dma_semaphore, #tpu.memory_space<semaphore_mem>>) src(%dma_wait3A_390 : memref<128xf32, #tpu.memory_space<vmem>>) dst(%dma_wait3A_388 : memref<128xf32, #tpu.memory_space<hbm>>)
    return
  }
}

</mosaic_0001>

<sc_bundles>
// kernel: kernel.3.cloned.1.call-start
scs
__scs_entry_jumppad:
0x0: {  	(pc) =	sbr.rel $0x88, $3  }
0x1: {  	(tag) =	ssettag $0x0;
	lr =	simm.s32 $0x1  }
0x2: {  	[smem:$0x3F9E] =	sst lr;
	_ =	strace $0xD0000000  }
0x3: {  	_ = 	snop  }
0x4: {  	_ = 	snop  }
0x5: {  	_ = 	snop  }
0x6: {  	_ = 	snop  }
0x7: {  	_ = 	snop  }
__scs_overlays_trampoline_lowered:
0x8: {  	[smem:$0x3FAD] =	sst s0  }
0x9: {  	[smem:$0x3FAE] =	sst s1  }
0xa: {  	[smem:$0x3FAF] =	sst s2  }
0xb: {  	[smem:$0x3FB0] =	sst s3  }
0xc: {  	[smem:$0x3FB1] =	sst s4  }
0xd: {  	[smem:$0x3FB2] =	sst s5  }
0xe: {  	[smem:$0x3FB3] =	sst s6  }
0xf: {  	[smem:$0x3FB4] =	sst s7  }
0x10: {  	[smem:$0x3FB5] =	sst s8  }
0x11: {  	[smem:$0x3FB6] =	sst s9;
	s0 =	simm.s32 @!p0 $0x0  }
0x12: {  	s1 =	sld [smem:$0x3F9C];
	s0 =	simm.s32 @p0 $0x1  }
0x13: {  	[smem:$0x3FB7] =	sst s0;
	s0 =	simm.s32 @!p1 $0x0  }
0x14: {  	s2 =	sld [smem:$0x3F9B];
	s0 =	simm.s32 @p1 $0x1  }
0x15: {  	[smem:$0x3FB8] =	sst s0;
	s0 =	simm.s32 @!p2 $0x0  }
0x16: {  	s3 =	sld [smem:$0x3FDB];
	s0 =	simm.s32 @p2 $0x1  }
0x17: {  	s4 =	simm.s32 $0x1BF5;
	[smem:$0x3FBA] =	sst s0  }
0x18: {  	s0 =	sld [smem:$0x3F9D];
	_ =	swait.ge [sflag:s4], $0x0  }
0x19: {  	s7 =	sld [smem:$0x3F9E]  }
0x1a: {  	s8 =	sadd.s32 $0xFFFFE003, lr  }
0x1b: {  	s9 =	sadd.s32 $0xFFFFFEF7, lr;
	s5 =	simm.s32 $0xFFFFFFFF;
	p2 =	slt.u32 s8, $0xFFFFF086  }
0x1c: {  	p1 =	slt.u32 s9, $0xF7A;
	s5 =	simm.s32 @!p2 $0x0  }
0x1d: {  	s5 =	simm.s32 @p1 $0x1;
	p0 =	seq.s32 s7, s2  }
0x1e: {  	s7 =	smul.u32 @!p0 $0xF7A, s2;
	p2 =	seq.s32 @!p0 s5, $0x0  }
0x1f: {  	s9 =	smul.u32 $0xF7A, s1;
	s8 =	simm.s32 @!p0 $0x1BF5;
	p2 =	por !p2, p0  }
0x20: {  	[sflag:s8] =	ssyncset.s32 @!p0 $0xFFFFF086;
	s6 =	sadd.s32 @!p0 s3, s7;
	s7 =	simm.s32 @!p0 $0x108  }
0x21: {  	s3 =	sadd.s32 s3, s9;
	s6 =	sadd.s32 @!p0 $0x88, s6;
	s7 =	simm.s32 @p2 $0x1082  }
0x22: {  	[simem:s7], [sflag:s8] =	dma.local @!p0 [hbm:s6], $0xF7A  }
0x23: {  	s9 =	sor.u32 $0xD0000000, s2;
	s6 =	simm.s32 $0x108;
	_ =	swait.ge @!p0 [sflag:s8], $0x0  }
0x24: {  	s3 =	sadd.s32 $0x88, s3;
	s6 =	simm.s32 @!p1 $0x1082;
	[sflag:s4] =	ssyncset.s32 $0xFFFFF086  }
0x25: {  	[simem:s6], [sflag:s4] =	dma.local [hbm:s3], $0xF7A  }
0x26: {  	[smem:$0x3F9E] =	sst s1;
	(tag) =	ssettag s2;
	_ =	strace s9  }
0x27: {  	s1 =	sld [smem:$0x3FAE]  }
0x28: {  	s2 =	sld [smem:$0x3FAF]  }
0x29: {  	s4 =	sld [smem:$0x3FB1]  }
0x2a: {  	p0 =	seq.s32 s5, $0x0;
	s5 =	sld [smem:$0x3FB2]  }
0x2b: {  	s6 =	sld [smem:$0x3FB3]  }
0x2c: {  	s7 =	sld [smem:$0x3FB4]  }
0x2d: {  	s3 =	simm.s32 $0x108;
	s8 =	sld [smem:$0x3FB5]  }
0x2e: {  	s3 =	simm.s32 @!p0 $0x1082;
	s9 =	sld [smem:$0x3FB6]  }
0x2f: {  	lr =	sadd.s32 s0, s3;
	s0 =	sld [smem:$0x3FAD]  }
0x30: {  	s3 =	sld [smem:$0x3FB0]  }
0x31: {  	[smem:$0x3FB9] =	sst s10  }
0x32: {  	s10 =	sld [smem:$0x3FB7];
	_ =	sdelay $0x3  }
0x33: {  	p0 =	seq.s32 s10, $0x1;
	s10 =	sld [smem:$0x3FB9];
	_ =	sdelay $0x3  }
0x34: {  	[smem:$0x3FB9] =	sst s10  }
0x35: {  	s10 =	sld [smem:$0x3FB8];
	_ =	sdelay $0x3  }
0x36: {  	p1 =	seq.s32 s10, $0x1;
	s10 =	sld [smem:$0x3FB9];
	_ =	sdelay $0x3  }
0x37: {  	[smem:$0x3FB9] =	sst s10  }
0x38: {  	s10 =	sld [smem:$0x3FBA]  }
0x39: {  	_ = 	snop;
	(pc) =	sbr.ind lr, $3  }
0x3a: {  	_ = 	snop  }
0x3b: {  	_ = 	snop  }
0x3c: {  	p2 =	seq.s32 s10, $0x1;
	s10 =	sld [smem:$0x3FB9]  }
0x3d: {  	_ =	shalt  }
0x3e: {  	_ =	shalt  }
0x3f: {  	_ =	shalt  }
0x40: {  	_ =	shalt  }
0x41: {  	_ =	shalt  }
0x42: {  	_ =	shalt  }
0x43: {  	_ =	shalt  }
0x44: {  	_ =	shalt  }
0x45: {  	_ =	shalt  }
0x46: {  	_ =	shalt  }
0x47: {  	_ =	shalt  }
0x48: {  	_ =	shalt  }
0x49: {  	_ =	shalt  }
0x4a: {  	_ =	shalt  }
0x4b: {  	_ =	shalt  }
0x4c: {  	_ =	shalt  }
0x4d: {  	_ =	shalt  }
0x4e: {  	_ =	shalt  }
0x4f: {  	_ =	shalt  }
0x50: {  	_ =	shalt  }
0x51: {  	_ =	shalt  }
0x52: {  	_ =	shalt  }
0x53: {  	_ =	shalt  }
0x54: {  	_ =	shalt  }
0x55: {  	_ =	shalt  }
0x56: {  	_ =	shalt  }
0x57: {  	_ =	shalt  }
0x58: {  	_ =	shalt  }
0x59: {  	_ =	shalt  }
0x5a: {  	_ =	shalt  }
0x5b: {  	_ =	shalt  }
0x5c: {  	_ =	shalt  }
0x5d: {  	_ =	shalt  }
0x5e: {  	_ =	shalt  }
0x5f: {  	_ =	shalt  }
0x60: {  	_ =	shalt  }
0x61: {  	_ =	shalt  }
0x62: {  	_ =	shalt  }
0x63: {  	_ =	shalt  }
0x64: {  	_ =	shalt  }
0x65: {  	_ =	shalt  }
0x66: {  	_ =	shalt  }
0x67: {  	_ =	shalt  }
0x68: {  	_ =	shalt  }
0x69: {  	_ =	shalt  }
0x6a: {  	_ =	shalt  }
0x6b: {  	_ =	shalt  }
0x6c: {  	_ =	shalt  }
0x6d: {  	_ =	shalt  }
0x6e: {  	_ =	shalt  }
0x6f: {  	_ =	shalt  }
0x70: {  	_ =	shalt  }
0x71: {  	_ =	shalt  }
0x72: {  	_ =	shalt  }
0x73: {  	_ =	shalt  }
0x74: {  	_ =	shalt  }
0x75: {  	_ =	shalt  }
0x76: {  	_ =	shalt  }
0x77: {  	_ =	shalt  }
0x78: {  	_ =	shalt  }
0x79: {  	_ =	shalt  }
0x7a: {  	_ =	shalt  }
0x7b: {  	_ =	shalt  }
0x7c: {  	_ =	shalt  }
0x7d: {  	_ =	shalt  }
0x7e: {  	_ =	shalt  }
0x7f: {  	_ =	shalt  }
0x80: {  	_ =	shalt  }
0x81: {  	_ =	shalt  }
0x82: {  	_ =	shalt  }
0x83: {  	_ =	shalt  }
0x84: {  	_ =	shalt  }
0x85: {  	_ =	shalt  }
0x86: {  	_ =	shalt  }
0x87: {  	_ =	shalt  }
.Lfunc_end0:
.L_simem_size_0:
called_computation_lowered:
.L_overlay_start_0:
0x88: {  	s2 =	sld [smem:$0x3FD9]  }
0x89: {  	s3 =	sld [smem:$0x3FFE];
	_ =	sdelay $0x1  }
0x8a: {  	s1 =	srdreg.scid  }
0x8b: {  	s0 =	sand.u32 $0x1, s1  }
0x8c: {  	s17 =	sshll.u32 s0, $0xA;
	s2 =	sadd.s32 s3, s2  }
0x8d: {  	s2 =	sadd.s32 s2, s17  }
0x8e: {  	[smem:$0x3FC5] =	sst s2  }
0x8f: {  	_ = 	snop  }
0x90: {  	s2 =	sld [smem:$0x3FC8]  }
0x91: {  	s18 =	sld [smem:$0x3FC7]  }
0x92: {  	s4 =	sld [smem:$0x3FD0];
	(tm) =	ssettm $0x1  }
0x93: {  	s5 =	sld [smem:$0x3FFB];
	_ =	sdelay $0x3  }
0x94: {  	_ =	strace s5  }
0x95: {  	s5 =	sld [smem:$0x3FFC];
	_ =	sdelay $0x3  }
0x96: {  	_ =	strace s5  }
0x97: {  	s5 =	sld [smem:$0x3FFD];
	_ =	sdelay $0x3  }
0x98: {  	_ =	strace s5  }
0x99: {  	_ =	strace $0x8FFFFFFF  }
0x9a: {  	s19 =	sld [smem:$0x3FDB];
	_ =	sdelay $0x1  }
0x9b: {  	s6 =	simm.s32 $_scs_section_size  }
0x9c: {  	s7 =	simm.s32 $_size__tile_overlayer_lowered;
	s8 =	simm.s32 $_tile_overlayer_lowered  }
0x9d: {  	s22 =	simm.s32 $0x1BFF;
	s21 =	sshll.u32 s8, $0x1;
	s5 =	sadd.s32 s6, s19  }
0x9e: {  	s9 =	simm.s32 $0x0;
	s20 =	sshll.u32 s7, $0x1;
	s7 =	sadd.s32 s21, s5  }
0x9f: {  	[timem:s9], [sflag:s22] =	dma.local [hbm:s7], s20  }
0xa0: {  	_ =	swait.ge [sflag:s22], s20  }
0xa1: {  	s6 =	ssub.s32 $0x0, s20;
	[sflag:s22] =	ssyncset.done $0x0  }
0xa2: {  	[sflag:s22] =	ssyncadd.s32 s6;
	_ =	sdelay $0x1  }
0xa3: {  	s23 =	simm.s32 $0x1B8B  }
0xa4: {  	_ =	swait.ge [sflag:s23], $0x1  }
0xa5: {  	[sflag:s23] =	ssyncset.done $0x0  }
0xa6: {  	s25 =	simm.s32 $0x1B8E;
	s24 =	sld [smem:$0x3FFE];
	[sflag:s23] =	ssyncadd.s32 $0xFFFFFFFF  }
0xa7: {  	s26 =	simm.s32 $execute0_lowered;
	[smem:$0x3FD2] =	sst s25  }
0xa8: {  	s7 =	sshll.u32 s26, $0x1;
	_ =	strace $0x80000046;
	[dreg:$0x1] =	wrdreg $0xFFFFFFFF  }
0xa9: {  	s28 =	simm.s32 $_size_execute0_lowered;
	s5 =	sadd.s32 s5, s7;
	[dreg:$0x0] =	wrdreg $0x0  }
0xaa: {  	s7 =	sshll.u32 s28, $0x1;
	[dreg:$0x2] =	wrdreg s5  }
0xab: {  	[dreg:$0x3] =	wrdreg s7  }
0xac: {  	[dreg:$0x4] =	wrdreg $0xC0  }
0xad: {  	_ =	task [dreg:s9], $0x5FFFF  }
0xae: {  	[dreg:$0x1] =	wrdreg $0xFFFFFFFF  }
0xaf: {  	[dreg:$0x0] =	wrdreg $0x60  }
0xb0: {  	[dreg:$0x2] =	wrdreg s24  }
0xb1: {  	[dreg:$0x3] =	wrdreg s2  }
0xb2: {  	[dreg:$0x4] =	wrdreg s18  }
0xb3: {  	[dreg:$0x5] =	wrdreg s4  }
0xb4: {  	[dreg:$0x6] =	wrdreg $0x9  }
0xb5: {  	_ =	task.clear_ibuf [dreg:s9], $0x7FFFF;
	_ =	strace $0x90000046  }
0xb6: {  	s29 =	simm.s32 $0x9;
	_ =	strace $0x80000048  }
0xb7: {  	_ =	swait.ge [sflag:s29], $0x1  }
0xb8: {  	[sflag:s29] =	ssyncadd.s32 $0xFFFFFFFF  }
0xb9: {  	_ =	strace $0x90000048  }
0xba: {  	_ =	sfence  }
0xbb: {  	s30 =	sld [smem:$0x0];
	_ =	sdelay $0x2  }
0xbc: {  	s31 =	sshll.u32 s1, $0xD;
	s1 =	sshrl.u32 s1, $0x2  }
0xbd: {  	s3 =	sand.u32 $0x4000, s31;
	s1 =	sadd.s32 s1, s30  }
0xbe: {  	s0 =	sor.u32 s3, s0;
	s1 =	sshll.u32 s1, $0x11  }
0xbf: {  	s0 =	sor.u32 s1, s0  }
0xc0: {  	s0 =	sadd.s32 $0x8F2B, s0  }
0xc1: {  	[sflag:s0] =	ssyncadd.remote.s32 $0x1  }
0xc2: {  	_ =	sfence.sel $0xFFFF  }
0xc3: {  	[dreg:$0x0] =	wrdreg $0xFFFFFFFF;
	(pc) =	sbr.abs _section_cstart, $3  }
0xc4: {  	[dreg:$0x1] =	wrdreg $0xFFFFFFFF  }
0xc5: {  	_ =	task.clear_ibuf [dreg:s9], $0x2FFFF;
	_ =	strace $0x9FFFFFFF  }
0xc6: {  	(tm) =	ssettm $0x7FFFFFFF  }
0xc7: {  	_ =	shalt  }
tec
execute0_lowered:
.L_overlay_start_1:
0x0: {  	(tag) =	ssettag $0x1  }
0x1: {  	s0 =	rddreg [dreg:$0x0]  }
0x2: {  	s1 =	rddreg [dreg:$0x1]  }
0x3: {  	s2 =	rddreg [dreg:$0x2];
	v0 =	vimm.s32 $0xFEDCBA98  }
0x4: {  	s3 =	rddreg [dreg:$0x3];
	s4 =	simm.s32 $0x0;
	v1 =	vimm.s32 $0x76543210;
	s12 =	simm.s32 $0x200;
	v2 =	vimm.s32 $0xBA98FEDC  }
0x5: {  	s5 =	srdreg.scid;
	v3 =	vimm.s32 $0x32107654;
	v4 =	vimm.s32 $0xDCFE98BA;
	s18 =	simm.s32 $0x4400;
	s20 =	simm.s32 $0x10400  }
0x6: {  	s6 =	stileid.u32;
	s16 =	simm.s32 $0x1;
	s17 =	simm.s32 $0x2;
	v5 =	vimm.s32 $0x54761032;
	v6 =	vimm.s32 $0xEFCDAB89;
	v7 =	vimm.s32 $0x67452301  }
0x7: {  	s21 =	simm.s32 $0x20;
	s22 =	simm.s32 $0x60;
	s23 =	simm.s32 $0x80;
	v0 =	vunpack.c.l.s4.s8 v0;
	v1 =	vunpack.c.l.s4.s8 v1;
	v2 =	vunpack.c.l.s4.s8 v2  }
0x8: {  	s25 =	simm.s32 $0x4;
	s26 =	simm.s32 $0x0;
	s5 =	sand.u32 $0x1, s5;
	v3 =	vunpack.c.l.s4.s8 v3;
	v4 =	vunpack.c.l.s4.s8 v4;
	v5 =	vunpack.c.l.s4.s8 v5  }
0x9: {  	s6 =	sshll.u32 s6, $0x7;
	v6 =	vunpack.c.l.s4.s8 v6;
	v7 =	vunpack.c.l.s4.s8 v7;
	s7 =	sshll.u32 s5, $0x6;
	s5 =	ssub.s32 $0x2, s5;
	v0 =	vunpack.c.0.s8.s32 v0  }
0xa: {  	[smem:$0x7FF] =	sst s4;
	s6 =	sor.u32 s7, s6;
	s31 =	sshrl.u32 s5, $0x1;
	v1 =	vunpack.c.0.s8.s32 v1;
	v2 =	vunpack.c.0.s8.s32 v2;
	v3 =	vunpack.c.0.s8.s32 v3  }
0xb: {  	_ =	strace $0x80000047;
	v6 =	vunpack.c.0.s8.s32 v6;
	v7 =	vunpack.c.0.s8.s32 v7;
	s0 =	sadd.s32 s6, s0;
	s13 =	ssub.s32 s5, s31;
	v0 =	vand.u32 $0xF, v0  }
0xc: {  	v4 =	vunpack.c.0.s8.s32 v4;
	v5 =	vunpack.c.0.s8.s32 v5;
	s5 =	sadd.s32 s3, s6;
	s6 =	sadd.s32 $0x400, s0;
	s7 =	sadd.s32 $0xC00, s0;
	v0 =	vcombine.low v0, v1  }
0xd: {  	s8 =	sadd.s32 $0x4, s5;
	s9 =	sadd.s32 $0x10, s5;
	s10 =	sadd.s32 $0x20, s5;
	v1 =	vcombine.low v3, v2;
	v3 =	vcombine.low v7, v6  }
0xe: {  	s11 =	sadd.s32 $0x30, s5;
	s15 =	smax.u32 s13, $0x1;
	s13 =	simm.s32 $0x3;
	v2 =	vcombine.low v5, v4;
	v4 =	vlaneseq.u32  }
.LBB2_1:
0xf: {  	[tilespmem:s4], [sflag:$0x1] =	stream.linear.gather [hbm4b:s6+s4], $0x200, $0x38;
	[tilespmem:$0x18600] =	vst v63  }
0x10: {  	_ = 	snop  }
0x11: {  	[tilespmem:s12], [sflag:$0x2] =	stream.linear.gather [hbm4b:s7+s4], $0x200, $0x38;
	[tilespmem:$0x18600] =	vst v63  }
0x12: {  	_ =	swait.ge [sflag:s16], $0x200  }
0x13: {  	[sflag:s16] =	ssyncset.done $0x0  }
0x14: {  	[sflag:s16] =	ssyncadd.s32 $0xFFFFFE00  }
0x15: {  	_ =	swait.ge [sflag:s17], $0x200  }
0x16: {  	[sflag:s17] =	ssyncset.done $0x0  }
0x17: {  	s0 =	simm.s32 $0x400;
	[sflag:s17] =	ssyncadd.s32 $0xFFFFFE00  }
0x18: {  	[tilespmem:s0], [sflag:$0x1] =	stream.indirect.gather [hbm4b:s1+s21], $0x80, s4, s21, $0xb8;
	[tilespmem:$0x18600] =	vst v63  }
0x19: {  	s24 =	simm.s32 $0xC400  }
0x1a: {  	[tilespmem:s24], [sflag:$0x1] =	stream.indirect.gather [hbm4b:s2+s21], $0x80, s12, s21, $0xb8;
	[tilespmem:$0x18600] =	vst v63  }
0x1b: {  	_ = 	snop  }
0x1c: {  	[tilespmem:s18], [sflag:$0x2] =	stream.indirect.gather [hbm4b:s1+s22], $0x80, s21, s22, $0xb8;
	[tilespmem:$0x18600] =	vst v63  }
0x1d: {  	s29 =	simm.s32 $0x220  }
0x1e: {  	[tilespmem:s20], [sflag:$0x2] =	stream.indirect.gather [hbm4b:s2+s22], $0x80, s29, s22, $0xb8;
	[tilespmem:$0x18600] =	vst v63  }
0x1f: {  	s30 =	simm.s32 $0x8400  }
0x20: {  	[tilespmem:s30], [sflag:$0x3] =	stream.indirect.gather [hbm4b:s1+s23], $0x80, s23, s23, $0xb8;
	[tilespmem:$0x18600] =	vst v63  }
0x21: {  	s31 =	simm.s32 $0x280;
	s3 =	simm.s32 $0x14400  }
0x22: {  	[tilespmem:s3], [sflag:$0x3] =	stream.indirect.gather [hbm4b:s2+s23], $0x80, s31, s23, $0xb8;
	[tilespmem:$0x18600] =	vst v63  }
0x23: {  	_ =	swait.ge [sflag:s16], $0x1000  }
0x24: {  	[sflag:s16] =	ssyncset.done $0x0  }
0x25: {  	[sflag:s16] =	ssyncadd.s32 $0xFFFFF000  }
0x26: {  	_ =	swait.ge [sflag:s16], $0x1000  }
0x27: {  	[sflag:s16] =	ssyncset.done $0x0  }
0x28: {  	p1 =	por $0x1, $0x1;
	s28 =	simm.s32 $0x0;
	[sflag:s16] =	ssyncadd.s32 $0xFFFFF000  }
.LBB2_2:
0x29: {  	s0 =	sshll.u32 s28, $0xB  }
0x2a: {  	s0 =	sand.u32 $0x3FFFF800, s0  }
0x2b: {  	s3 =	sor.u32 $0x440, s0  }
0x2c: {  	s0 =	sadd.s32 $0xC440, s0;
	v5 =	vld [tilespmem:s3+$0xFFFFFFC0]  }
0x2d: {  	v6 =	vld [tilespmem:s0+$0xFFFFFFC0]  }
0x2e: {  	v7 =	vld [tilespmem:s3+$0xFFFFFFD0]  }
0x2f: {  	v8 =	vld [tilespmem:s0+$0xFFFFFFD0]  }
0x30: {  	v9 =	vld [tilespmem:s3+$0xFFFFFFE0]  }
0x31: {  	v10 =	vld [tilespmem:s0+$0xFFFFFFE0]  }
0x32: {  	v11 =	vld [tilespmem:s3+$0xFFFFFFF0]  }
0x33: {  	v12 =	vld [tilespmem:s0+$0xFFFFFFF0]  }
0x34: {  	v13 =	vld [tilespmem:s3+$0x0];
	v5 =	vmul.f32 v6, v5;
	v6 =	vmul.f32 v8, v7  }
0x35: {  	v7 =	vld [tilespmem:s0+$0x0]  }
0x36: {  	v8 =	vld [tilespmem:s3+$0x10];
	v5 =	vadd.f32 v6, v5;
	v6 =	vmul.f32 v10, v9  }
0x37: {  	v9 =	vld [tilespmem:s0+$0x10]  }
0x38: {  	v10 =	vld [tilespmem:s3+$0x20];
	v5 =	vadd.f32 v6, v5;
	v6 =	vmul.f32 v12, v11  }
0x39: {  	v11 =	vld [tilespmem:s0+$0x20]  }
0x3a: {  	v12 =	vld [tilespmem:s3+$0x30];
	v5 =	vadd.f32 v6, v5;
	v6 =	vmul.f32 v7, v13  }
0x3b: {  	s3 =	sadd.s32 $0x80, s3;
	v7 =	vld [tilespmem:s0+$0x30]  }
0x3c: {  	v13 =	vld [tilespmem:s3+$0xFFFFFFC0];
	s0 =	sadd.s32 $0x80, s0;
	v5 =	vadd.f32 v6, v5;
	v6 =	vmul.f32 v9, v8  }
0x3d: {  	v8 =	vld [tilespmem:s0+$0xFFFFFFC0]  }
0x3e: {  	v9 =	vld [tilespmem:s3+$0xFFFFFFD0];
	v5 =	vadd.f32 v6, v5;
	v6 =	vmul.f32 v11, v10  }
0x3f: {  	v10 =	vld [tilespmem:s0+$0xFFFFFFD0]  }
0x40: {  	v11 =	vld [tilespmem:s3+$0xFFFFFFE0];
	v5 =	vadd.f32 v6, v5;
	v6 =	vmul.f32 v7, v12  }
0x41: {  	v7 =	vld [tilespmem:s0+$0xFFFFFFE0]  }
0x42: {  	v12 =	vld [tilespmem:s3+$0xFFFFFFF0];
	v5 =	vadd.f32 v6, v5  }
0x43: {  	v8 =	vmul.f32 v8, v13;
	v6 =	vld [tilespmem:s0+$0xFFFFFFF0]  }
0x44: {  	v14 =	vld [tilespmem:s0+$0x0];
	v9 =	vmul.f32 v10, v9;
	v10 =	vperm.xlane v5, v0  }
0x45: {  	v13 =	vld [tilespmem:s3+$0x0]  }
0x46: {  	v15 =	vld [tilespmem:s3+$0x10];
	v8 =	vadd.f32 v9, v8;
	v7 =	vmul.f32 v7, v11;
	v5 =	vadd.f32 v5, v10  }
0x47: {  	v10 =	vld [tilespmem:s0+$0x10]  }
0x48: {  	v16 =	vld [tilespmem:s3+$0x20];
	v7 =	vadd.f32 v7, v8;
	v8 =	vmul.f32 v6, v12;
	v9 =	vperm.xlane v5, v1  }
0x49: {  	v17 =	vld [tilespmem:s0+$0x20]  }
0x4a: {  	v11 =	vmul.f32 v14, v13;
	v6 =	vld [tilespmem:s3+$0x30];
	v8 =	vadd.f32 v8, v7;
	v14 =	vadd.f32 v5, v9  }
0x4b: {  	s3 =	sadd.s32 $0x80, s3;
	v7 =	vld [tilespmem:s0+$0x30]  }
0x4c: {  	s31 =	sadd.s32 $0x80, s0;
	v9 =	vld [tilespmem:s3+$0xFFFFFFC0];
	v8 =	vadd.f32 v11, v8;
	v12 =	vmul.f32 v10, v15;
	v15 =	vperm.xlane v14, v2  }
0x4d: {  	v10 =	vld [tilespmem:s31+$0xFFFFFFC0]  }
0x4e: {  	s30 =	simm.s32 $0x0;
	p0 =	por p1, p1;
	v13 =	vmul.f32 v17, v16;
	v11 =	vld [tilespmem:s3+$0xFFFFFFD0];
	v12 =	vadd.f32 v12, v8;
	v8 =	vadd.f32 v14, v15  }
0x4f: {  	s29 =	simm.s32 $0x2;
	s14 =	simm.s32 $0x3;
	s0 =	simm.s32 $0x1;
	v5 =	vimm.f32 $0.0e+00;
	v14 =	vld [tilespmem:s31+$0xFFFFFFD0]  }
.LBB2_3:
0x50: {  	p1 =	sne.s32 s14, $0xF;
	v15 =	vld [tilespmem:s3+$0xFFFFFFE0];
	v12 =	vadd.f32 v13, v12;
	v6 =	vmul.f32 v7, v6;
	v7 =	vperm.xlane v8, v3  }
0x51: {  	v13 =	vld [tilespmem:s31+$0xFFFFFFE0]  }
0x52: {  	v16 =	vld [tilespmem:s3+$0xFFFFFFF0];
	v6 =	vadd.f32 v6, v12;
	v7 =	vadd.f32 v8, v7;
	v8 =	vmov s30;
	s30 =	smov.u32 s0;
	s0 =	smov.u32 s29;
	s29 =	smov.u32 s14  }
0x53: {  	v9 =	vmul.f32 v10, v9;
	v10 =	vld [tilespmem:s31+$0xFFFFFFF0];
	vm0 =	veq.s32 v8, v4  }
0x54: {  	v8 =	vmul.f32 v14, v11;
	v11 =	vld [tilespmem:s3+$0x0];
	v12 =	vperm.xlane v6, v0;
	v5 =	vsel vm0, v7, v5  }
0x55: {  	v7 =	vld [tilespmem:s31+$0x0]  }
0x56: {  	v8 =	vadd.f32 v8, v9;
	v9 =	vmul.f32 v13, v15;
	v13 =	vld [tilespmem:s3+$0x10];
	v12 =	vadd.f32 v6, v12  }
0x57: {  	v14 =	vld [tilespmem:s31+$0x10]  }
0x58: {  	v6 =	vadd.f32 v9, v8;
	v8 =	vmul.f32 v10, v16;
	v15 =	vld [tilespmem:s3+$0x20];
	v9 =	vperm.xlane v12, v1  }
0x59: {  	v16 =	vld [tilespmem:s31+$0x20]  }
0x5a: {  	v8 =	vadd.f32 v8, v6;
	v10 =	vmul.f32 v7, v11;
	v6 =	vld [tilespmem:s3+$0x30];
	v17 =	vadd.f32 v12, v9  }
.Ltmp0:
0x5b: {  	s3 =	sadd.s32 $0x80, s3;
	v7 =	vld [tilespmem:s31+$0x30];
	(pc) =	sbr.rel @p1 .LBB2_3-.Ltmp0, $4  }
0x5c: {  	s31 =	sadd.s32 $0x80, s31;
	v9 =	vld [tilespmem:s3+$0xFFFFFFC0];
	v8 =	vadd.f32 v10, v8;
	v12 =	vmul.f32 v14, v13;
	v14 =	vperm.xlane v17, v2  }
0x5d: {  	v10 =	vld [tilespmem:s31+$0xFFFFFFC0]  }
0x5e: {  	v11 =	vld [tilespmem:s3+$0xFFFFFFD0];
	v12 =	vadd.f32 v12, v8;
	v13 =	vmul.f32 v16, v15;
	v8 =	vadd.f32 v17, v14  }
0x5f: {  	s14 =	sadd.s32 $0x1, s14;
	v14 =	vld [tilespmem:s31+$0xFFFFFFD0]  }
0x60: {  	v15 =	vld [tilespmem:s3+$0xFFFFFFE0]  }
0x61: {  	v16 =	vld [tilespmem:s31+$0xFFFFFFE0]  }
0x62: {  	v17 =	vld [tilespmem:s3+$0xFFFFFFF0]  }
0x63: {  	v18 =	vld [tilespmem:s31+$0xFFFFFFF0]  }
0x64: {  	v42 =	vld [tilespmem:s3+$0x0];
	v9 =	vmul.f32 v10, v9;
	v41 =	vmul.f32 v14, v11  }
0x65: {  	v43 =	vld [tilespmem:s31+$0x0]  }
0x66: {  	v45 =	vld [tilespmem:s3+$0x10];
	v44 =	vmul.f32 v16, v15;
	v9 =	vadd.f32 v41, v9  }
0x67: {  	v46 =	vld [tilespmem:s31+$0x10]  }
0x68: {  	v48 =	vld [tilespmem:s3+$0x20];
	v47 =	vmul.f32 v18, v17;
	v9 =	vadd.f32 v44, v9  }
0x69: {  	v49 =	vld [tilespmem:s31+$0x20]  }
0x6a: {  	v51 =	vld [tilespmem:s3+$0x30];
	v50 =	vmul.f32 v43, v42;
	v9 =	vadd.f32 v47, v9  }
0x6b: {  	v52 =	vld [tilespmem:s31+$0x30]  }
0x6c: {  	v53 =	vmul.f32 v46, v45;
	v9 =	vadd.f32 v50, v9;
	_ =	sdelay $0x1  }
0x6d: {  	v54 =	vmul.f32 v49, v48;
	v9 =	vadd.f32 v53, v9  }
0x6e: {  	v12 =	vadd.f32 v13, v12;
	v6 =	vmul.f32 v7, v6  }
0x6f: {  	v55 =	vmul.f32 v52, v51;
	v7 =	vadd.f32 v54, v9  }
0x70: {  	v6 =	vadd.f32 v6, v12  }
0x71: {  	v7 =	vadd.f32 v55, v7  }
0x72: {  	v56 =	vperm.xlane v6, v0  }
0x73: {  	v57 =	vperm.xlane v7, v0  }
0x74: {  	v6 =	vadd.f32 v6, v56  }
0x75: {  	v7 =	vadd.f32 v7, v57  }
0x76: {  	v9 =	vperm.xlane v6, v1  }
0x77: {  	v10 =	vperm.xlane v7, v1  }
0x78: {  	v6 =	vadd.f32 v6, v9  }
0x79: {  	v7 =	vadd.f32 v7, v10  }
0x7a: {  	v9 =	vperm.xlane v6, v2  }
0x7b: {  	v10 =	vperm.xlane v7, v2  }
0x7c: {  	v6 =	vadd.f32 v6, v9  }
0x7d: {  	v58 =	vperm.xlane v8, v3;
	v7 =	vadd.f32 v7, v10  }
0x7e: {  	v59 =	vmov s30;
	v60 =	vperm.xlane v6, v3  }
0x7f: {  	v62 =	vmov s0;
	v8 =	vadd.f32 v8, v58;
	v61 =	vperm.xlane v7, v3  }
.Ltmp1:
0x80: {  	v63 =	vmov s29;
	vm0 =	veq.s32 v59, v4;
	v6 =	vadd.f32 v6, v60;
	(pc) =	sbr.rel @p0 .LBB2_2-.Ltmp1, $4  }
0x81: {  	vm14 =	veq.s32 v62, v4;
	v5 =	vsel vm0, v8, v5;
	v7 =	vadd.f32 v7, v61  }
0x82: {  	s31 =	sshll.u32 s28, $0x4;
	vm15 =	veq.s32 v63, v4;
	v5 =	vsel vm14, v6, v5  }
0x83: {  	s0 =	sand.u32 $0x3FFFFFF0, s31;
	v5 =	vsel vm15, v7, v5  }
0x84: {  	s28 =	simm.s32 $0x1;
	p1 =	por $0x0, $0x0;
	[tilespmem:s0+$0x18400] =	vst v5  }
0x85: {  	s28 =	simm.s32 $0x400;
	s0 =	simm.s32 $0x100  }
0x86: {  	[tilespmem:s28], [sflag:$0x1] =	stream.indirect.gather [hbm4b:s1+s23], $0x80, s0, s23, $0xb8;
	[tilespmem:$0x18600] =	vst v63  }
0x87: {  	s29 =	simm.s32 $0xC400;
	s19 =	simm.s32 $0x300  }
0x88: {  	[tilespmem:s29], [sflag:$0x1] =	stream.indirect.gather [hbm4b:s2+s23], $0x80, s19, s23, $0xb8;
	[tilespmem:$0x18600] =	vst v63  }
0x89: {  	s30 =	simm.s32 $0x0;
	s24 =	simm.s32 $0x18400  }
0x8a: {  	[hbm4b:s5+s30] =	stream.linear.scatter [tilespmem:s24], [sflag:$0x4], $0x20, $0x38;
	[tilespmem:$0x18600] =	vst v63  }
0x8b: {  	_ =	swait.ge [sflag:s17], $0x3000  }
0x8c: {  	[sflag:s17] =	ssyncset.done $0x0  }
0x8d: {  	[sflag:s17] =	ssyncadd.s32 $0xFFFFD000  }
0x8e: {  	_ =	swait.ge [sflag:s17], $0x3000  }
0x8f: {  	[sflag:s17] =	ssyncset.done $0x0  }
0x90: {  	s31 =	simm.s32 $0x0;
	[sflag:s17] =	ssyncadd.s32 $0xFFFFD000  }
.LBB2_6:
0x91: {  	v5 =	vmov s28  }
0x92: {  	v6 =	vmov s29;
	_ =	sdelay $0x2  }
0x93: {  	s0 =	simm.s32 $0x0  }
0x94: {  	v7 =	vld.idx.msk [tilespmem:v5+s0+$0x4000 ss:$0x1], $0xffff  }
0x95: {  	v8 =	vld.idx.msk [tilespmem:v6+s0+$0x4000 ss:$0x1], $0xffff  }
0x96: {  	v9 =	vld.idx.msk [tilespmem:v5+s0+$0x4010 ss:$0x1], $0xffff  }
0x97: {  	v10 =	vld.idx.msk [tilespmem:v6+s0+$0x4010 ss:$0x1], $0xffff  }
0x98: {  	v11 =	vld.idx.msk [tilespmem:v5+s0+$0x4020 ss:$0x1], $0xffff  }
0x99: {  	v12 =	vld.idx.msk [tilespmem:v6+s0+$0x4020 ss:$0x1], $0xffff  }
0x9a: {  	v13 =	vld.idx.msk [tilespmem:v5+s0+$0x4030 ss:$0x1], $0xffff  }
0x9b: {  	v14 =	vld.idx.msk [tilespmem:v6+s0+$0x4030 ss:$0x1], $0xffff  }
0x9c: {  	v15 =	vld.idx.msk [tilespmem:v5+s0+$0x4040 ss:$0x1], $0xffff  }
0x9d: {  	v16 =	vld.idx.msk [tilespmem:v6+s0+$0x4040 ss:$0x1], $0xffff  }
0x9e: {  	v17 =	vld.idx.msk [tilespmem:v5+s0+$0x4050 ss:$0x1], $0xffff  }
0x9f: {  	v18 =	vld.idx.msk [tilespmem:v6+s0+$0x4050 ss:$0x1], $0xffff  }
0xa0: {  	v19 =	vld.idx.msk [tilespmem:v5+s0+$0x4060 ss:$0x1], $0xffff  }
0xa1: {  	v20 =	vld.idx.msk [tilespmem:v6+s0+$0x4060 ss:$0x1], $0xffff  }
0xa2: {  	v21 =	vld.idx.msk [tilespmem:v5+s0+$0x4070 ss:$0x1], $0xffff  }
0xa3: {  	s3 =	simm.s32 $0x80;
	v7 =	vmul.f32 v8, v7;
	v8 =	vmul.f32 v10, v9;
	v9 =	vld.idx.msk [tilespmem:v6+s0+$0x4070 ss:$0x1], $0xffff  }
0xa4: {  	v10 =	vld.idx.msk [tilespmem:v5+s3+$0x4000 ss:$0x1], $0xffff  }
0xa5: {  	v7 =	vadd.f32 v8, v7;
	v8 =	vmul.f32 v12, v11;
	v11 =	vld.idx.msk [tilespmem:v6+s3+$0x4000 ss:$0x1], $0xffff  }
0xa6: {  	v12 =	vld.idx.msk [tilespmem:v5+s3+$0x4010 ss:$0x1], $0xffff  }
0xa7: {  	v7 =	vadd.f32 v8, v7;
	v8 =	vmul.f32 v14, v13;
	v13 =	vld.idx.msk [tilespmem:v6+s3+$0x4010 ss:$0x1], $0xffff  }
0xa8: {  	v14 =	vld.idx.msk [tilespmem:v5+s3+$0x4020 ss:$0x1], $0xffff  }
0xa9: {  	v7 =	vadd.f32 v8, v7;
	v8 =	vmul.f32 v16, v15;
	v15 =	vld.idx.msk [tilespmem:v6+s3+$0x4020 ss:$0x1], $0xffff  }
0xaa: {  	v16 =	vld.idx.msk [tilespmem:v5+s3+$0x4030 ss:$0x1], $0xffff  }
0xab: {  	v7 =	vadd.f32 v8, v7;
	v8 =	vmul.f32 v18, v17;
	v17 =	vld.idx.msk [tilespmem:v6+s3+$0x4030 ss:$0x1], $0xffff  }
0xac: {  	v10 =	vmul.f32 v11, v10;
	v18 =	vld.idx.msk [tilespmem:v5+s3+$0x4040 ss:$0x1], $0xffff  }
0xad: {  	v11 =	vmul.f32 v13, v12;
	v12 =	vld.idx.msk [tilespmem:v5+s3+$0x4050 ss:$0x1], $0xffff;
	v7 =	vadd.f32 v8, v7;
	v8 =	vmul.f32 v20, v19  }
0xae: {  	v9 =	vmul.f32 v9, v21;
	v19 =	vld.idx.msk [tilespmem:v6+s3+$0x4040 ss:$0x1], $0xffff  }
0xaf: {  	v13 =	vld.idx.msk [tilespmem:v5+s3+$0x4060 ss:$0x1], $0xffff;
	v10 =	vadd.f32 v11, v10;
	v11 =	vmul.f32 v15, v14;
	v7 =	vadd.f32 v8, v7  }
0xb0: {  	v8 =	vld.idx.msk [tilespmem:v6+s3+$0x4050 ss:$0x1], $0xffff  }
0xb1: {  	v14 =	vld.idx.msk [tilespmem:v6+s3+$0x4060 ss:$0x1], $0xffff;
	v7 =	vadd.f32 v9, v7;
	v9 =	vadd.f32 v11, v10;
	v10 =	vmul.f32 v17, v16  }
0xb2: {  	v15 =	vld.idx.msk [tilespmem:v6+s3+$0x4070 ss:$0x1], $0xffff  }
0xb3: {  	s24 =	simm.s32 $0x100;
	v11 =	vld.idx.msk [tilespmem:v5+s3+$0x4070 ss:$0x1], $0xffff;
	v16 =	vperm.xlane v7, v0;
	v9 =	vadd.f32 v10, v9;
	v10 =	vmul.f32 v19, v18  }
0xb4: {  	v17 =	vld.idx.msk [tilespmem:v5+s24+$0x4000 ss:$0x1], $0xffff  }
0xb5: {  	v18 =	vld.idx.msk [tilespmem:v6+s24+$0x4000 ss:$0x1], $0xffff;
	v8 =	vmul.f32 v8, v12;
	v7 =	vadd.f32 v7, v16;
	v9 =	vadd.f32 v10, v9  }
0xb6: {  	v12 =	vld.idx.msk [tilespmem:v6+s24+$0x4010 ss:$0x1], $0xffff  }
0xb7: {  	v10 =	vld.idx.msk [tilespmem:v5+s24+$0x4010 ss:$0x1], $0xffff;
	v16 =	vperm.xlane v7, v1;
	v8 =	vadd.f32 v8, v9;
	v9 =	vmul.f32 v14, v13  }
0xb8: {  	v13 =	vld.idx.msk [tilespmem:v5+s24+$0x4020 ss:$0x1], $0xffff  }
0xb9: {  	v14 =	vld.idx.msk [tilespmem:v6+s24+$0x4020 ss:$0x1], $0xffff;
	v7 =	vadd.f32 v7, v16;
	v8 =	vadd.f32 v9, v8;
	v9 =	vmul.f32 v15, v11  }
0xba: {  	v11 =	vld.idx.msk [tilespmem:v5+s24+$0x4030 ss:$0x1], $0xffff  }
0xbb: {  	v15 =	vld.idx.msk [tilespmem:v6+s24+$0x4030 ss:$0x1], $0xffff;
	v16 =	vperm.xlane v7, v2;
	v8 =	vadd.f32 v9, v8  }
0xbc: {  	v19 =	vld.idx.msk [tilespmem:v5+s24+$0x4040 ss:$0x1], $0xffff;
	v10 =	vmul.f32 v12, v10;
	v9 =	vmul.f32 v18, v17  }
0xbd: {  	v12 =	vld.idx.msk [tilespmem:v6+s24+$0x4040 ss:$0x1], $0xffff;
	v7 =	vadd.f32 v7, v16;
	v16 =	vperm.xlane v8, v0  }
0xbe: {  	v17 =	vld.idx.msk [tilespmem:v5+s24+$0x4050 ss:$0x1], $0xffff;
	v9 =	vadd.f32 v10, v9  }
0xbf: {  	v10 =	vmul.f32 v14, v13;
	v13 =	vld.idx.msk [tilespmem:v6+s24+$0x4050 ss:$0x1], $0xffff;
	v14 =	vperm.xlane v7, v3;
	v16 =	vadd.f32 v8, v16  }
0xc0: {  	v11 =	vmul.f32 v15, v11;
	v8 =	vld.idx.msk [tilespmem:v5+s24+$0x4060 ss:$0x1], $0xffff  }
0xc1: {  	v18 =	vadd.f32 v10, v9;
	v10 =	vld.idx.msk [tilespmem:v6+s24+$0x4060 ss:$0x1], $0xffff;
	v7 =	vadd.f32 v7, v14;
	v14 =	vperm.xlane v16, v1  }
0xc2: {  	v15 =	vmov s30;
	v9 =	vld.idx.msk [tilespmem:v5+s24+$0x4070 ss:$0x1], $0xffff  }
0xc3: {  	s3 =	simm.s32 $0x180;
	v19 =	vmul.f32 v12, v19;
	v12 =	vld.idx.msk [tilespmem:v6+s24+$0x4070 ss:$0x1], $0xffff;
	v18 =	vadd.f32 v11, v18;
	v11 =	vadd.f32 v16, v14  }
0xc4: {  	v20 =	vimm.f32 $0.0e+00;
	vm0 =	veq.s32 v15, v4;
	v15 =	vld.idx.msk [tilespmem:v6+s3+$0x4000 ss:$0x1], $0xffff  }
0xc5: {  	v14 =	vld.idx.msk [tilespmem:v5+s3+$0x4000 ss:$0x1], $0xffff;
	v16 =	vadd.f32 v19, v18;
	v18 =	vmul.f32 v13, v17;
	v13 =	vperm.xlane v11, v2  }
0xc6: {  	s14 =	simm.s32 $0x800;
	s0 =	simm.s32 $0x0;
	v7 =	vsel vm0, v7, v20;
	v17 =	vld.idx.msk [tilespmem:v5+s3+$0x4010 ss:$0x1], $0xffff  }
.LBB2_7:
0xc7: {  	p0 =	sne.s32 s14, $0x1E00;
	v19 =	vld.idx.msk [tilespmem:v6+s3+$0x4010 ss:$0x1], $0xffff;
	v16 =	vadd.f32 v18, v16;
	v8 =	vmul.f32 v10, v8;
	v10 =	vadd.f32 v11, v13  }
0xc8: {  	v11 =	vld.idx.msk [tilespmem:v5+s3+$0x4020 ss:$0x1], $0xffff  }
0xc9: {  	v9 =	vmul.f32 v12, v9;
	v13 =	vld.idx.msk [tilespmem:v6+s3+$0x4020 ss:$0x1], $0xffff;
	v8 =	vadd.f32 v8, v16;
	v12 =	vperm.xlane v10, v3  }
0xca: {  	s0 =	sadd.s32 $0x1, s0;
	v16 =	vld.idx.msk [tilespmem:v5+s3+$0x4030 ss:$0x1], $0xffff  }
0xcb: {  	v18 =	vld.idx.msk [tilespmem:v6+s3+$0x4030 ss:$0x1], $0xffff;
	v8 =	vadd.f32 v9, v8;
	v9 =	vadd.f32 v10, v12;
	v10 =	vmov s0  }
0xcc: {  	v12 =	vmul.f32 v15, v14;
	v14 =	vld.idx.msk [tilespmem:v5+s3+$0x4040 ss:$0x1], $0xffff;
	vm0 =	veq.s32 v10, v4  }
0xcd: {  	v10 =	vmul.f32 v19, v17;
	v15 =	vld.idx.msk [tilespmem:v6+s3+$0x4040 ss:$0x1], $0xffff;
	v17 =	vperm.xlane v8, v0;
	v7 =	vsel vm0, v9, v7  }
0xce: {  	v19 =	vld.idx.msk [tilespmem:v5+s3+$0x4050 ss:$0x1], $0xffff  }
0xcf: {  	v9 =	vadd.f32 v10, v12;
	v10 =	vmul.f32 v13, v11;
	v13 =	vld.idx.msk [tilespmem:v6+s3+$0x4050 ss:$0x1], $0xffff;
	v11 =	vadd.f32 v8, v17  }
0xd0: {  	v8 =	vld.idx.msk [tilespmem:v5+s3+$0x4060 ss:$0x1], $0xffff  }
0xd1: {  	v12 =	vadd.f32 v10, v9;
	v16 =	vmul.f32 v18, v16;
	v10 =	vld.idx.msk [tilespmem:v6+s3+$0x4060 ss:$0x1], $0xffff;
	v17 =	vperm.xlane v11, v1  }
.Ltmp2:
0xd2: {  	v9 =	vld.idx.msk [tilespmem:v5+s3+$0x4070 ss:$0x1], $0xffff;
	(pc) =	sbr.rel @p0 .LBB2_7-.Ltmp2, $4  }
0xd3: {  	v16 =	vadd.f32 v16, v12;
	v18 =	vmul.f32 v15, v14;
	v12 =	vld.idx.msk [tilespmem:v6+s3+$0x4070 ss:$0x1], $0xffff;
	s3 =	sshra.s32 s14, $0x2;
	v11 =	vadd.f32 v11, v17  }
0xd4: {  	v14 =	vld.idx.msk [tilespmem:v5+s3+$0x4000 ss:$0x1], $0xffff  }
0xd5: {  	v16 =	vadd.f32 v18, v16;
	v18 =	vmul.f32 v13, v19;
	v15 =	vld.idx.msk [tilespmem:v6+s3+$0x4000 ss:$0x1], $0xffff;
	v13 =	vperm.xlane v11, v2  }
0xd6: {  	s14 =	sadd.s32 $0x200, s14;
	v17 =	vld.idx.msk [tilespmem:v5+s3+$0x4010 ss:$0x1], $0xffff  }
0xd7: {  	_ =	sdelay $0x3  }
0xd8: {  	v19 =	vld.idx.msk [tilespmem:v6+s3+$0x4010 ss:$0x1], $0xffff  }
0xd9: {  	v20 =	vld.idx.msk [tilespmem:v5+s3+$0x4020 ss:$0x1], $0xffff  }
0xda: {  	v21 =	vld.idx.msk [tilespmem:v6+s3+$0x4020 ss:$0x1], $0xffff  }
0xdb: {  	v22 =	vld.idx.msk [tilespmem:v5+s3+$0x4030 ss:$0x1], $0xffff  }
0xdc: {  	v23 =	vld.idx.msk [tilespmem:v6+s3+$0x4030 ss:$0x1], $0xffff  }
0xdd: {  	v46 =	vld.idx.msk [tilespmem:v5+s3+$0x4040 ss:$0x1], $0xffff;
	v14 =	vmul.f32 v15, v14;
	v17 =	vmul.f32 v19, v17  }
0xde: {  	v47 =	vld.idx.msk [tilespmem:v6+s3+$0x4040 ss:$0x1], $0xffff  }
0xdf: {  	v48 =	vld.idx.msk [tilespmem:v5+s3+$0x4050 ss:$0x1], $0xffff;
	v20 =	vmul.f32 v21, v20;
	v14 =	vadd.f32 v17, v14  }
0xe0: {  	v49 =	vld.idx.msk [tilespmem:v6+s3+$0x4050 ss:$0x1], $0xffff  }
0xe1: {  	v50 =	vld.idx.msk [tilespmem:v5+s3+$0x4060 ss:$0x1], $0xffff;
	v22 =	vmul.f32 v23, v22;
	v14 =	vadd.f32 v20, v14  }
0xe2: {  	v51 =	vld.idx.msk [tilespmem:v6+s3+$0x4060 ss:$0x1], $0xffff  }
0xe3: {  	v5 =	vld.idx.msk [tilespmem:v5+s3+$0x4070 ss:$0x1], $0xffff;
	v15 =	vmul.f32 v47, v46;
	v14 =	vadd.f32 v22, v14  }
0xe4: {  	v6 =	vld.idx.msk [tilespmem:v6+s3+$0x4070 ss:$0x1], $0xffff  }
0xe5: {  	v52 =	vmul.f32 v49, v48;
	v14 =	vadd.f32 v15, v14  }
0xe6: {  	v16 =	vadd.f32 v18, v16;
	v8 =	vmul.f32 v10, v8  }
0xe7: {  	v54 =	vmul.f32 v51, v50;
	v53 =	vadd.f32 v52, v14  }
0xe8: {  	v9 =	vmul.f32 v12, v9;
	v8 =	vadd.f32 v8, v16  }
0xe9: {  	v5 =	vmul.f32 v6, v5;
	v10 =	vadd.f32 v54, v53  }
0xea: {  	v6 =	vadd.f32 v9, v8  }
0xeb: {  	v5 =	vadd.f32 v5, v10  }
0xec: {  	v8 =	vperm.xlane v6, v0  }
0xed: {  	v55 =	vperm.xlane v5, v0  }
0xee: {  	v6 =	vadd.f32 v6, v8  }
0xef: {  	v5 =	vadd.f32 v5, v55  }
0xf0: {  	v8 =	vperm.xlane v6, v1  }
0xf1: {  	v9 =	vperm.xlane v5, v1  }
0xf2: {  	v6 =	vadd.f32 v6, v8  }
0xf3: {  	v5 =	vadd.f32 v5, v9  }
0xf4: {  	v57 =	vperm.xlane v6, v2  }
0xf5: {  	v56 =	vadd.f32 v11, v13;
	v58 =	vperm.xlane v5, v2  }
0xf6: {  	v6 =	vadd.f32 v6, v57  }
0xf7: {  	s0 =	sadd.s32 $0x1, s0;
	v11 =	vperm.xlane v56, v3;
	v5 =	vadd.f32 v5, v58  }
0xf8: {  	s24 =	sshll.u32 s31, $0x4;
	s31 =	sadd.s32 $0x1, s31;
	v59 =	vmov s0;
	s0 =	sadd.s32 $0x1, s0;
	v60 =	vperm.xlane v6, v3  }
0xf9: {  	p0 =	sne.s32 s31, $0x6;
	v62 =	vmov s0;
	v8 =	vadd.f32 v56, v11;
	v61 =	vperm.xlane v5, v3  }
.Ltmp3:
0xfa: {  	vm0 =	veq.s32 v59, v4;
	s0 =	sadd.s32 $0x1, s0;
	vm14 =	veq.s32 v62, v4;
	v6 =	vadd.f32 v6, v60;
	(pc) =	sbr.rel @p0 .LBB2_6-.Ltmp3, $4  }
0xfb: {  	v63 =	vmov s0;
	v7 =	vsel vm0, v8, v7;
	v5 =	vadd.f32 v5, v61  }
0xfc: {  	vm15 =	veq.s32 v63, v4;
	v6 =	vsel vm14, v6, v7  }
0xfd: {  	s0 =	sand.u32 $0x3FFFFFF0, s24;
	v5 =	vsel vm15, v5, v6  }
0xfe: {  	s28 =	sadd.s32 $0x800, s28;
	s29 =	sadd.s32 $0x800, s29;
	[tilespmem:s0+$0x18420] =	vst v5  }
0xff: {  	s0 =	simm.s32 $0x180  }
0x100: {  	[tilespmem:s18], [sflag:$0x2] =	stream.indirect.gather [hbm4b:s1+s23], $0x80, s0, s23, $0xb8;
	[tilespmem:$0x18600] =	vst v63  }
0x101: {  	s19 =	simm.s32 $0x380  }
0x102: {  	[tilespmem:s20], [sflag:$0x2] =	stream.indirect.gather [hbm4b:s2+s23], $0x80, s19, s23, $0xb8;
	[tilespmem:$0x18600] =	vst v63  }
0x103: {  	s28 =	simm.s32 $0x0;
	s24 =	simm.s32 $0x18420  }
0x104: {  	[hbm4b:s8+s28] =	stream.linear.scatter [tilespmem:s24], [sflag:$0x4], $0x60, $0x38;
	[tilespmem:$0x18600] =	vst v63  }
0x105: {  	_ =	swait.ge [sflag:s13], $0x4000  }
0x106: {  	[sflag:s13] =	ssyncset.done $0x0  }
0x107: {  	[sflag:s13] =	ssyncadd.s32 $0xFFFFC000  }
0x108: {  	_ =	swait.ge [sflag:s13], $0x4000  }
0x109: {  	s29 =	simm.s32 $0x400;
	[sflag:s13] =	ssyncset.done $0x0  }
0x10a: {  	s30 =	simm.s32 $0xC400;
	s31 =	simm.s32 $0x0;
	[sflag:s13] =	ssyncadd.s32 $0xFFFFC000  }
.LBB2_10:
0x10b: {  	v5 =	vmov s29  }
0x10c: {  	v6 =	vmov s30;
	_ =	sdelay $0x2  }
0x10d: {  	s0 =	simm.s32 $0x0  }
0x10e: {  	v7 =	vld.idx.msk [tilespmem:v5+s0+$0x8000 ss:$0x1], $0xffff  }
0x10f: {  	v8 =	vld.idx.msk [tilespmem:v6+s0+$0x8000 ss:$0x1], $0xffff  }
0x110: {  	v9 =	vld.idx.msk [tilespmem:v5+s0+$0x8010 ss:$0x1], $0xffff  }
0x111: {  	v10 =	vld.idx.msk [tilespmem:v6+s0+$0x8010 ss:$0x1], $0xffff  }
0x112: {  	v11 =	vld.idx.msk [tilespmem:v5+s0+$0x8020 ss:$0x1], $0xffff  }
0x113: {  	v12 =	vld.idx.msk [tilespmem:v6+s0+$0x8020 ss:$0x1], $0xffff  }
0x114: {  	v13 =	vld.idx.msk [tilespmem:v5+s0+$0x8030 ss:$0x1], $0xffff  }
0x115: {  	v14 =	vld.idx.msk [tilespmem:v6+s0+$0x8030 ss:$0x1], $0xffff  }
0x116: {  	v15 =	vld.idx.msk [tilespmem:v5+s0+$0x8040 ss:$0x1], $0xffff  }
0x117: {  	v16 =	vld.idx.msk [tilespmem:v6+s0+$0x8040 ss:$0x1], $0xffff  }
0x118: {  	v17 =	vld.idx.msk [tilespmem:v5+s0+$0x8050 ss:$0x1], $0xffff  }
0x119: {  	v18 =	vld.idx.msk [tilespmem:v6+s0+$0x8050 ss:$0x1], $0xffff  }
0x11a: {  	v19 =	vld.idx.msk [tilespmem:v5+s0+$0x8060 ss:$0x1], $0xffff  }
0x11b: {  	v20 =	vld.idx.msk [tilespmem:v6+s0+$0x8060 ss:$0x1], $0xffff  }
0x11c: {  	v21 =	vld.idx.msk [tilespmem:v5+s0+$0x8070 ss:$0x1], $0xffff  }
0x11d: {  	s3 =	simm.s32 $0x80;
	v7 =	vmul.f32 v8, v7;
	v8 =	vmul.f32 v10, v9;
	v9 =	vld.idx.msk [tilespmem:v6+s0+$0x8070 ss:$0x1], $0xffff  }
0x11e: {  	v10 =	vld.idx.msk [tilespmem:v5+s3+$0x8000 ss:$0x1], $0xffff  }
0x11f: {  	v7 =	vadd.f32 v8, v7;
	v8 =	vmul.f32 v12, v11;
	v11 =	vld.idx.msk [tilespmem:v6+s3+$0x8000 ss:$0x1], $0xffff  }
0x120: {  	v12 =	vld.idx.msk [tilespmem:v5+s3+$0x8010 ss:$0x1], $0xffff  }
0x121: {  	v7 =	vadd.f32 v8, v7;
	v8 =	vmul.f32 v14, v13;
	v13 =	vld.idx.msk [tilespmem:v6+s3+$0x8010 ss:$0x1], $0xffff  }
0x122: {  	v14 =	vld.idx.msk [tilespmem:v5+s3+$0x8020 ss:$0x1], $0xffff  }
0x123: {  	v7 =	vadd.f32 v8, v7;
	v8 =	vmul.f32 v16, v15;
	v15 =	vld.idx.msk [tilespmem:v6+s3+$0x8020 ss:$0x1], $0xffff  }
0x124: {  	v16 =	vld.idx.msk [tilespmem:v5+s3+$0x8030 ss:$0x1], $0xffff  }
0x125: {  	v7 =	vadd.f32 v8, v7;
	v8 =	vmul.f32 v18, v17;
	v17 =	vld.idx.msk [tilespmem:v6+s3+$0x8030 ss:$0x1], $0xffff  }
0x126: {  	v10 =	vmul.f32 v11, v10;
	v18 =	vld.idx.msk [tilespmem:v5+s3+$0x8040 ss:$0x1], $0xffff  }
0x127: {  	v11 =	vmul.f32 v13, v12;
	v12 =	vld.idx.msk [tilespmem:v5+s3+$0x8050 ss:$0x1], $0xffff;
	v7 =	vadd.f32 v8, v7;
	v8 =	vmul.f32 v20, v19  }
0x128: {  	v9 =	vmul.f32 v9, v21;
	v19 =	vld.idx.msk [tilespmem:v6+s3+$0x8040 ss:$0x1], $0xffff  }
0x129: {  	v13 =	vld.idx.msk [tilespmem:v5+s3+$0x8060 ss:$0x1], $0xffff;
	v10 =	vadd.f32 v11, v10;
	v11 =	vmul.f32 v15, v14;
	v7 =	vadd.f32 v8, v7  }
0x12a: {  	v8 =	vld.idx.msk [tilespmem:v6+s3+$0x8050 ss:$0x1], $0xffff  }
0x12b: {  	v14 =	vld.idx.msk [tilespmem:v6+s3+$0x8060 ss:$0x1], $0xffff;
	v7 =	vadd.f32 v9, v7;
	v9 =	vadd.f32 v11, v10;
	v10 =	vmul.f32 v17, v16  }
0x12c: {  	v15 =	vld.idx.msk [tilespmem:v6+s3+$0x8070 ss:$0x1], $0xffff  }
0x12d: {  	s24 =	simm.s32 $0x100;
	v11 =	vld.idx.msk [tilespmem:v5+s3+$0x8070 ss:$0x1], $0xffff;
	v16 =	vperm.xlane v7, v0;
	v9 =	vadd.f32 v10, v9;
	v10 =	vmul.f32 v19, v18  }
0x12e: {  	v17 =	vld.idx.msk [tilespmem:v5+s24+$0x8000 ss:$0x1], $0xffff  }
0x12f: {  	v18 =	vld.idx.msk [tilespmem:v6+s24+$0x8000 ss:$0x1], $0xffff;
	v8 =	vmul.f32 v8, v12;
	v7 =	vadd.f32 v7, v16;
	v9 =	vadd.f32 v10, v9  }
0x130: {  	v12 =	vld.idx.msk [tilespmem:v6+s24+$0x8010 ss:$0x1], $0xffff  }
0x131: {  	v10 =	vld.idx.msk [tilespmem:v5+s24+$0x8010 ss:$0x1], $0xffff;
	v16 =	vperm.xlane v7, v1;
	v8 =	vadd.f32 v8, v9;
	v9 =	vmul.f32 v14, v13  }
0x132: {  	v13 =	vld.idx.msk [tilespmem:v5+s24+$0x8020 ss:$0x1], $0xffff  }
0x133: {  	v14 =	vld.idx.msk [tilespmem:v6+s24+$0x8020 ss:$0x1], $0xffff;
	v7 =	vadd.f32 v7, v16;
	v8 =	vadd.f32 v9, v8;
	v9 =	vmul.f32 v15, v11  }
0x134: {  	v11 =	vld.idx.msk [tilespmem:v5+s24+$0x8030 ss:$0x1], $0xffff  }
0x135: {  	v15 =	vld.idx.msk [tilespmem:v6+s24+$0x8030 ss:$0x1], $0xffff;
	v16 =	vperm.xlane v7, v2;
	v8 =	vadd.f32 v9, v8  }
0x136: {  	v19 =	vld.idx.msk [tilespmem:v5+s24+$0x8040 ss:$0x1], $0xffff;
	v10 =	vmul.f32 v12, v10;
	v9 =	vmul.f32 v18, v17  }
0x137: {  	v12 =	vld.idx.msk [tilespmem:v6+s24+$0x8040 ss:$0x1], $0xffff;
	v7 =	vadd.f32 v7, v16;
	v16 =	vperm.xlane v8, v0  }
0x138: {  	v17 =	vld.idx.msk [tilespmem:v5+s24+$0x8050 ss:$0x1], $0xffff;
	v9 =	vadd.f32 v10, v9  }
0x139: {  	v10 =	vmul.f32 v14, v13;
	v13 =	vld.idx.msk [tilespmem:v6+s24+$0x8050 ss:$0x1], $0xffff;
	v14 =	vperm.xlane v7, v3;
	v16 =	vadd.f32 v8, v16  }
0x13a: {  	v11 =	vmul.f32 v15, v11;
	v8 =	vld.idx.msk [tilespmem:v5+s24+$0x8060 ss:$0x1], $0xffff  }
0x13b: {  	v18 =	vadd.f32 v10, v9;
	v10 =	vld.idx.msk [tilespmem:v6+s24+$0x8060 ss:$0x1], $0xffff;
	v7 =	vadd.f32 v7, v14;
	v14 =	vperm.xlane v16, v1  }
0x13c: {  	v15 =	vmov s28;
	v9 =	vld.idx.msk [tilespmem:v5+s24+$0x8070 ss:$0x1], $0xffff  }
0x13d: {  	s3 =	simm.s32 $0x180;
	v19 =	vmul.f32 v12, v19;
	v12 =	vld.idx.msk [tilespmem:v6+s24+$0x8070 ss:$0x1], $0xffff;
	v18 =	vadd.f32 v11, v18;
	v11 =	vadd.f32 v16, v14  }
0x13e: {  	v20 =	vimm.f32 $0.0e+00;
	vm0 =	veq.s32 v15, v4;
	v15 =	vld.idx.msk [tilespmem:v6+s3+$0x8000 ss:$0x1], $0xffff  }
0x13f: {  	v14 =	vld.idx.msk [tilespmem:v5+s3+$0x8000 ss:$0x1], $0xffff;
	v16 =	vadd.f32 v19, v18;
	v18 =	vmul.f32 v13, v17;
	v13 =	vperm.xlane v11, v2  }
0x140: {  	s14 =	simm.s32 $0x800;
	s0 =	simm.s32 $0x0;
	v7 =	vsel vm0, v7, v20;
	v17 =	vld.idx.msk [tilespmem:v5+s3+$0x8010 ss:$0x1], $0xffff  }
.LBB2_11:
0x141: {  	p0 =	sne.s32 s14, $0x1E00;
	v19 =	vld.idx.msk [tilespmem:v6+s3+$0x8010 ss:$0x1], $0xffff;
	v16 =	vadd.f32 v18, v16;
	v8 =	vmul.f32 v10, v8;
	v10 =	vadd.f32 v11, v13  }
0x142: {  	v11 =	vld.idx.msk [tilespmem:v5+s3+$0x8020 ss:$0x1], $0xffff  }
0x143: {  	v9 =	vmul.f32 v12, v9;
	v13 =	vld.idx.msk [tilespmem:v6+s3+$0x8020 ss:$0x1], $0xffff;
	v8 =	vadd.f32 v8, v16;
	v12 =	vperm.xlane v10, v3  }
0x144: {  	s0 =	sadd.s32 $0x1, s0;
	v16 =	vld.idx.msk [tilespmem:v5+s3+$0x8030 ss:$0x1], $0xffff  }
0x145: {  	v18 =	vld.idx.msk [tilespmem:v6+s3+$0x8030 ss:$0x1], $0xffff;
	v8 =	vadd.f32 v9, v8;
	v9 =	vadd.f32 v10, v12;
	v10 =	vmov s0  }
0x146: {  	v12 =	vmul.f32 v15, v14;
	v14 =	vld.idx.msk [tilespmem:v5+s3+$0x8040 ss:$0x1], $0xffff;
	vm0 =	veq.s32 v10, v4  }
0x147: {  	v10 =	vmul.f32 v19, v17;
	v15 =	vld.idx.msk [tilespmem:v6+s3+$0x8040 ss:$0x1], $0xffff;
	v17 =	vperm.xlane v8, v0;
	v7 =	vsel vm0, v9, v7  }
0x148: {  	v19 =	vld.idx.msk [tilespmem:v5+s3+$0x8050 ss:$0x1], $0xffff  }
0x149: {  	v9 =	vadd.f32 v10, v12;
	v10 =	vmul.f32 v13, v11;
	v13 =	vld.idx.msk [tilespmem:v6+s3+$0x8050 ss:$0x1], $0xffff;
	v11 =	vadd.f32 v8, v17  }
0x14a: {  	v8 =	vld.idx.msk [tilespmem:v5+s3+$0x8060 ss:$0x1], $0xffff  }
0x14b: {  	v12 =	vadd.f32 v10, v9;
	v16 =	vmul.f32 v18, v16;
	v10 =	vld.idx.msk [tilespmem:v6+s3+$0x8060 ss:$0x1], $0xffff;
	v17 =	vperm.xlane v11, v1  }
.Ltmp4:
0x14c: {  	v9 =	vld.idx.msk [tilespmem:v5+s3+$0x8070 ss:$0x1], $0xffff;
	(pc) =	sbr.rel @p0 .LBB2_11-.Ltmp4, $4  }
0x14d: {  	v16 =	vadd.f32 v16, v12;
	v18 =	vmul.f32 v15, v14;
	v12 =	vld.idx.msk [tilespmem:v6+s3+$0x8070 ss:$0x1], $0xffff;
	s3 =	sshra.s32 s14, $0x2;
	v11 =	vadd.f32 v11, v17  }
0x14e: {  	v14 =	vld.idx.msk [tilespmem:v5+s3+$0x8000 ss:$0x1], $0xffff  }
0x14f: {  	v16 =	vadd.f32 v18, v16;
	v18 =	vmul.f32 v13, v19;
	v15 =	vld.idx.msk [tilespmem:v6+s3+$0x8000 ss:$0x1], $0xffff;
	v13 =	vperm.xlane v11, v2  }
0x150: {  	s14 =	sadd.s32 $0x200, s14;
	v17 =	vld.idx.msk [tilespmem:v5+s3+$0x8010 ss:$0x1], $0xffff  }
0x151: {  	_ =	sdelay $0x3  }
0x152: {  	v19 =	vld.idx.msk [tilespmem:v6+s3+$0x8010 ss:$0x1], $0xffff  }
0x153: {  	v20 =	vld.idx.msk [tilespmem:v5+s3+$0x8020 ss:$0x1], $0xffff  }
0x154: {  	v21 =	vld.idx.msk [tilespmem:v6+s3+$0x8020 ss:$0x1], $0xffff  }
0x155: {  	v22 =	vld.idx.msk [tilespmem:v5+s3+$0x8030 ss:$0x1], $0xffff  }
0x156: {  	v23 =	vld.idx.msk [tilespmem:v6+s3+$0x8030 ss:$0x1], $0xffff  }
0x157: {  	v46 =	vld.idx.msk [tilespmem:v5+s3+$0x8040 ss:$0x1], $0xffff;
	v14 =	vmul.f32 v15, v14;
	v17 =	vmul.f32 v19, v17  }
0x158: {  	v47 =	vld.idx.msk [tilespmem:v6+s3+$0x8040 ss:$0x1], $0xffff  }
0x159: {  	v48 =	vld.idx.msk [tilespmem:v5+s3+$0x8050 ss:$0x1], $0xffff;
	v20 =	vmul.f32 v21, v20;
	v14 =	vadd.f32 v17, v14  }
0x15a: {  	v49 =	vld.idx.msk [tilespmem:v6+s3+$0x8050 ss:$0x1], $0xffff  }
0x15b: {  	v50 =	vld.idx.msk [tilespmem:v5+s3+$0x8060 ss:$0x1], $0xffff;
	v22 =	vmul.f32 v23, v22;
	v14 =	vadd.f32 v20, v14  }
0x15c: {  	v51 =	vld.idx.msk [tilespmem:v6+s3+$0x8060 ss:$0x1], $0xffff  }
0x15d: {  	v5 =	vld.idx.msk [tilespmem:v5+s3+$0x8070 ss:$0x1], $0xffff;
	v15 =	vmul.f32 v47, v46;
	v14 =	vadd.f32 v22, v14  }
0x15e: {  	v6 =	vld.idx.msk [tilespmem:v6+s3+$0x8070 ss:$0x1], $0xffff  }
0x15f: {  	v52 =	vmul.f32 v49, v48;
	v14 =	vadd.f32 v15, v14  }
0x160: {  	v16 =	vadd.f32 v18, v16;
	v8 =	vmul.f32 v10, v8  }
0x161: {  	v54 =	vmul.f32 v51, v50;
	v53 =	vadd.f32 v52, v14  }
0x162: {  	v9 =	vmul.f32 v12, v9;
	v8 =	vadd.f32 v8, v16  }
0x163: {  	v5 =	vmul.f32 v6, v5;
	v10 =	vadd.f32 v54, v53  }
0x164: {  	v6 =	vadd.f32 v9, v8  }
0x165: {  	v5 =	vadd.f32 v5, v10  }
0x166: {  	v8 =	vperm.xlane v6, v0  }
0x167: {  	v55 =	vperm.xlane v5, v0  }
0x168: {  	v6 =	vadd.f32 v6, v8  }
0x169: {  	v5 =	vadd.f32 v5, v55  }
0x16a: {  	v8 =	vperm.xlane v6, v1  }
0x16b: {  	v9 =	vperm.xlane v5, v1  }
0x16c: {  	v6 =	vadd.f32 v6, v8  }
0x16d: {  	v5 =	vadd.f32 v5, v9  }
0x16e: {  	v57 =	vperm.xlane v6, v2  }
0x16f: {  	v56 =	vadd.f32 v11, v13;
	v58 =	vperm.xlane v5, v2  }
0x170: {  	v6 =	vadd.f32 v6, v57  }
0x171: {  	s0 =	sadd.s32 $0x1, s0;
	v11 =	vperm.xlane v56, v3;
	v5 =	vadd.f32 v5, v58  }
0x172: {  	s24 =	sshll.u32 s31, $0x4;
	s31 =	sadd.s32 $0x1, s31;
	v59 =	vmov s0;
	s0 =	sadd.s32 $0x1, s0;
	v60 =	vperm.xlane v6, v3  }
0x173: {  	p0 =	sne.s32 s31, $0x8;
	v62 =	vmov s0;
	v8 =	vadd.f32 v56, v11;
	v61 =	vperm.xlane v5, v3  }
.Ltmp5:
0x174: {  	vm0 =	veq.s32 v59, v4;
	s0 =	sadd.s32 $0x1, s0;
	vm14 =	veq.s32 v62, v4;
	v6 =	vadd.f32 v6, v60;
	(pc) =	sbr.rel @p0 .LBB2_10-.Ltmp5, $4  }
0x175: {  	v63 =	vmov s0;
	v7 =	vsel vm0, v8, v7;
	v5 =	vadd.f32 v5, v61  }
0x176: {  	vm15 =	veq.s32 v63, v4;
	v6 =	vsel vm14, v6, v7  }
0x177: {  	s0 =	sand.u32 $0x3FFFFFF0, s24;
	v5 =	vsel vm15, v5, v6  }
0x178: {  	s29 =	sadd.s32 $0x800, s29;
	s30 =	sadd.s32 $0x800, s30;
	[tilespmem:s0+$0x18480] =	vst v5  }
0x179: {  	s28 =	simm.s32 $0x0;
	s0 =	simm.s32 $0x18480  }
0x17a: {  	[hbm4b:s9+s28] =	stream.linear.scatter [tilespmem:s0], [sflag:$0x4], $0x80, $0x38;
	[tilespmem:$0x18600] =	vst v63  }
0x17b: {  	_ =	swait.ge [sflag:s16], $0x4000  }
0x17c: {  	[sflag:s16] =	ssyncset.done $0x0  }
0x17d: {  	[sflag:s16] =	ssyncadd.s32 $0xFFFFC000  }
0x17e: {  	_ =	swait.ge [sflag:s16], $0x4000  }
0x17f: {  	[sflag:s16] =	ssyncset.done $0x0  }
0x180: {  	s29 =	simm.s32 $0x440;
	s30 =	simm.s32 $0xC440;
	[sflag:s16] =	ssyncadd.s32 $0xFFFFC000  }
.LBB2_14:
0x181: {  	v5 =	vld [tilespmem:s29+$0xFFFFFFC0]  }
0x182: {  	v6 =	vld [tilespmem:s30+$0xFFFFFFC0]  }
0x183: {  	v7 =	vld [tilespmem:s29+$0xFFFFFFD0]  }
0x184: {  	v8 =	vld [tilespmem:s30+$0xFFFFFFD0]  }
0x185: {  	v9 =	vld [tilespmem:s29+$0xFFFFFFE0]  }
0x186: {  	v10 =	vld [tilespmem:s30+$0xFFFFFFE0]  }
0x187: {  	v11 =	vld [tilespmem:s29+$0xFFFFFFF0]  }
0x188: {  	v12 =	vld [tilespmem:s30+$0xFFFFFFF0]  }
0x189: {  	v13 =	vld [tilespmem:s29+$0x0];
	v5 =	vmul.f32 v6, v5;
	v6 =	vmul.f32 v8, v7  }
0x18a: {  	v7 =	vld [tilespmem:s30+$0x0]  }
0x18b: {  	v8 =	vld [tilespmem:s29+$0x10];
	v5 =	vadd.f32 v6, v5;
	v6 =	vmul.f32 v10, v9  }
0x18c: {  	v9 =	vld [tilespmem:s30+$0x10]  }
0x18d: {  	v10 =	vld [tilespmem:s29+$0x20];
	v5 =	vadd.f32 v6, v5;
	v6 =	vmul.f32 v12, v11  }
0x18e: {  	v11 =	vld [tilespmem:s30+$0x20]  }
0x18f: {  	v12 =	vld [tilespmem:s29+$0x30];
	v5 =	vadd.f32 v6, v5;
	v6 =	vmul.f32 v7, v13  }
0x190: {  	s0 =	sadd.s32 $0x80, s29;
	v7 =	vld [tilespmem:s30+$0x30]  }
0x191: {  	s3 =	sadd.s32 $0x80, s30;
	v13 =	vld [tilespmem:s0+$0xFFFFFFC0];
	v5 =	vadd.f32 v6, v5;
	v6 =	vmul.f32 v9, v8  }
0x192: {  	v8 =	vld [tilespmem:s3+$0xFFFFFFC0]  }
0x193: {  	v9 =	vld [tilespmem:s0+$0xFFFFFFD0];
	v5 =	vadd.f32 v6, v5;
	v6 =	vmul.f32 v11, v10  }
0x194: {  	v10 =	vld [tilespmem:s3+$0xFFFFFFD0]  }
0x195: {  	v11 =	vld [tilespmem:s0+$0xFFFFFFE0];
	v5 =	vadd.f32 v6, v5;
	v6 =	vmul.f32 v7, v12  }
0x196: {  	v7 =	vld [tilespmem:s3+$0xFFFFFFE0]  }
0x197: {  	v12 =	vld [tilespmem:s0+$0xFFFFFFF0];
	v5 =	vadd.f32 v6, v5  }
0x198: {  	v8 =	vmul.f32 v8, v13;
	v6 =	vld [tilespmem:s3+$0xFFFFFFF0]  }
0x199: {  	v14 =	vld [tilespmem:s3+$0x0];
	v9 =	vmul.f32 v10, v9;
	v10 =	vperm.xlane v5, v0  }
0x19a: {  	v13 =	vld [tilespmem:s0+$0x0]  }
0x19b: {  	v15 =	vld [tilespmem:s0+$0x10];
	v8 =	vadd.f32 v9, v8;
	v7 =	vmul.f32 v7, v11;
	v5 =	vadd.f32 v5, v10  }
0x19c: {  	v10 =	vld [tilespmem:s3+$0x10]  }
0x19d: {  	v16 =	vld [tilespmem:s0+$0x20];
	v7 =	vadd.f32 v7, v8;
	v8 =	vmul.f32 v6, v12;
	v9 =	vperm.xlane v5, v1  }
0x19e: {  	v17 =	vld [tilespmem:s3+$0x20]  }
0x19f: {  	v11 =	vmul.f32 v14, v13;
	v6 =	vld [tilespmem:s0+$0x30];
	v8 =	vadd.f32 v8, v7;
	v14 =	vadd.f32 v5, v9  }
0x1a0: {  	s14 =	sadd.s32 $0x80, s0;
	v7 =	vld [tilespmem:s3+$0x30]  }
0x1a1: {  	s19 =	sadd.s32 $0x80, s3;
	v9 =	vld [tilespmem:s14+$0xFFFFFFC0];
	v8 =	vadd.f32 v11, v8;
	v12 =	vmul.f32 v10, v15;
	v15 =	vperm.xlane v14, v2  }
0x1a2: {  	v10 =	vld [tilespmem:s19+$0xFFFFFFC0]  }
0x1a3: {  	s31 =	simm.s32 $0x2;
	v13 =	vmul.f32 v17, v16;
	v11 =	vld [tilespmem:s14+$0xFFFFFFD0];
	v12 =	vadd.f32 v12, v8;
	v8 =	vadd.f32 v14, v15  }
0x1a4: {  	s24 =	simm.s32 $0x3;
	s0 =	simm.s32 $0x1;
	s3 =	simm.s32 $0x0;
	v5 =	vimm.f32 $0.0e+00;
	v14 =	vld [tilespmem:s19+$0xFFFFFFD0]  }
.LBB2_15:
0x1a5: {  	p0 =	sne.s32 s24, $0xF;
	v15 =	vld [tilespmem:s14+$0xFFFFFFE0];
	v12 =	vadd.f32 v13, v12;
	v6 =	vmul.f32 v7, v6;
	v7 =	vperm.xlane v8, v3  }
0x1a6: {  	v13 =	vld [tilespmem:s19+$0xFFFFFFE0]  }
0x1a7: {  	v16 =	vld [tilespmem:s14+$0xFFFFFFF0];
	v6 =	vadd.f32 v6, v12;
	v7 =	vadd.f32 v8, v7;
	v8 =	vmov s3;
	s3 =	smov.u32 s0;
	s0 =	smov.u32 s31;
	s31 =	smov.u32 s24  }
0x1a8: {  	v9 =	vmul.f32 v10, v9;
	v10 =	vld [tilespmem:s19+$0xFFFFFFF0];
	vm0 =	veq.s32 v8, v4  }
0x1a9: {  	v8 =	vmul.f32 v14, v11;
	v11 =	vld [tilespmem:s14+$0x0];
	v12 =	vperm.xlane v6, v0;
	v5 =	vsel vm0, v7, v5  }
0x1aa: {  	v7 =	vld [tilespmem:s19+$0x0]  }
0x1ab: {  	v8 =	vadd.f32 v8, v9;
	v9 =	vmul.f32 v13, v15;
	v13 =	vld [tilespmem:s14+$0x10];
	v12 =	vadd.f32 v6, v12  }
0x1ac: {  	v14 =	vld [tilespmem:s19+$0x10]  }
0x1ad: {  	v6 =	vadd.f32 v9, v8;
	v8 =	vmul.f32 v10, v16;
	v15 =	vld [tilespmem:s14+$0x20];
	v9 =	vperm.xlane v12, v1  }
0x1ae: {  	v16 =	vld [tilespmem:s19+$0x20]  }
0x1af: {  	v8 =	vadd.f32 v8, v6;
	v10 =	vmul.f32 v7, v11;
	v6 =	vld [tilespmem:s14+$0x30];
	v17 =	vadd.f32 v12, v9  }
.Ltmp6:
0x1b0: {  	s14 =	sadd.s32 $0x80, s14;
	v7 =	vld [tilespmem:s19+$0x30];
	(pc) =	sbr.rel @p0 .LBB2_15-.Ltmp6, $4  }
0x1b1: {  	s19 =	sadd.s32 $0x80, s19;
	v9 =	vld [tilespmem:s14+$0xFFFFFFC0];
	v8 =	vadd.f32 v10, v8;
	v12 =	vmul.f32 v14, v13;
	v14 =	vperm.xlane v17, v2  }
0x1b2: {  	v10 =	vld [tilespmem:s19+$0xFFFFFFC0]  }
0x1b3: {  	v11 =	vld [tilespmem:s14+$0xFFFFFFD0];
	v12 =	vadd.f32 v12, v8;
	v13 =	vmul.f32 v16, v15;
	v8 =	vadd.f32 v17, v14  }
0x1b4: {  	s24 =	sadd.s32 $0x1, s24;
	v14 =	vld [tilespmem:s19+$0xFFFFFFD0]  }
0x1b5: {  	v15 =	vld [tilespmem:s14+$0xFFFFFFE0]  }
0x1b6: {  	v16 =	vld [tilespmem:s19+$0xFFFFFFE0]  }
0x1b7: {  	v17 =	vld [tilespmem:s14+$0xFFFFFFF0]  }
0x1b8: {  	v18 =	vld [tilespmem:s19+$0xFFFFFFF0]  }
0x1b9: {  	v42 =	vld [tilespmem:s14+$0x0];
	v9 =	vmul.f32 v10, v9;
	v41 =	vmul.f32 v14, v11  }
0x1ba: {  	v43 =	vld [tilespmem:s19+$0x0]  }
0x1bb: {  	v45 =	vld [tilespmem:s14+$0x10];
	v44 =	vmul.f32 v16, v15;
	v9 =	vadd.f32 v41, v9  }
0x1bc: {  	v46 =	vld [tilespmem:s19+$0x10]  }
0x1bd: {  	v48 =	vld [tilespmem:s14+$0x20];
	v47 =	vmul.f32 v18, v17;
	v9 =	vadd.f32 v44, v9  }
0x1be: {  	v49 =	vld [tilespmem:s19+$0x20]  }
0x1bf: {  	v51 =	vld [tilespmem:s14+$0x30];
	v50 =	vmul.f32 v43, v42;
	v9 =	vadd.f32 v47, v9  }
0x1c0: {  	v52 =	vld [tilespmem:s19+$0x30]  }
0x1c1: {  	v53 =	vmul.f32 v46, v45;
	v9 =	vadd.f32 v50, v9;
	_ =	sdelay $0x1  }
0x1c2: {  	v54 =	vmul.f32 v49, v48;
	v9 =	vadd.f32 v53, v9  }
0x1c3: {  	v12 =	vadd.f32 v13, v12;
	v6 =	vmul.f32 v7, v6  }
0x1c4: {  	v55 =	vmul.f32 v52, v51;
	v7 =	vadd.f32 v54, v9  }
0x1c5: {  	v6 =	vadd.f32 v6, v12  }
0x1c6: {  	v7 =	vadd.f32 v55, v7  }
0x1c7: {  	v56 =	vperm.xlane v6, v0  }
0x1c8: {  	v57 =	vperm.xlane v7, v0  }
0x1c9: {  	v6 =	vadd.f32 v6, v56  }
0x1ca: {  	v7 =	vadd.f32 v7, v57  }
0x1cb: {  	v9 =	vperm.xlane v6, v1  }
0x1cc: {  	v10 =	vperm.xlane v7, v1  }
0x1cd: {  	v6 =	vadd.f32 v6, v9  }
0x1ce: {  	v7 =	vadd.f32 v7, v10  }
0x1cf: {  	v9 =	vperm.xlane v6, v2  }
0x1d0: {  	v10 =	vperm.xlane v7, v2  }
0x1d1: {  	v6 =	vadd.f32 v6, v9  }
0x1d2: {  	v58 =	vperm.xlane v8, v3;
	v7 =	vadd.f32 v7, v10  }
0x1d3: {  	v63 =	vmov s31;
	s31 =	sshll.u32 s28, $0x4;
	s28 =	sadd.s32 $0x1, s28;
	v60 =	vperm.xlane v6, v3  }
0x1d4: {  	v59 =	vmov s3;
	p0 =	sne.s32 s28, $0x8;
	v8 =	vadd.f32 v8, v58;
	v61 =	vperm.xlane v7, v3  }
.Ltmp7:
0x1d5: {  	v62 =	vmov s0;
	vm0 =	veq.s32 v59, v4;
	v6 =	vadd.f32 v6, v60;
	(pc) =	sbr.rel @p0 .LBB2_14-.Ltmp7, $4  }
0x1d6: {  	vm14 =	veq.s32 v62, v4;
	v5 =	vsel vm0, v8, v5;
	v7 =	vadd.f32 v7, v61  }
0x1d7: {  	vm15 =	veq.s32 v63, v4;
	v5 =	vsel vm14, v6, v5  }
0x1d8: {  	s0 =	sand.u32 $0x3FFFFFF0, s31;
	v5 =	vsel vm15, v7, v5  }
0x1d9: {  	s29 =	sadd.s32 $0x800, s29;
	s30 =	sadd.s32 $0x800, s30;
	[tilespmem:s0+$0x18500] =	vst v5  }
0x1da: {  	s28 =	simm.s32 $0x0;
	s0 =	simm.s32 $0x18500  }
0x1db: {  	[hbm4b:s10+s28] =	stream.linear.scatter [tilespmem:s0], [sflag:$0x4], $0x80, $0x38;
	[tilespmem:$0x18600] =	vst v63  }
0x1dc: {  	_ =	swait.ge [sflag:s17], $0x4000  }
0x1dd: {  	[sflag:s17] =	ssyncset.done $0x0  }
0x1de: {  	[sflag:s17] =	ssyncadd.s32 $0xFFFFC000  }
0x1df: {  	_ =	swait.ge [sflag:s17], $0x4000  }
0x1e0: {  	s29 =	simm.s32 $0x400;
	[sflag:s17] =	ssyncset.done $0x0  }
0x1e1: {  	s30 =	simm.s32 $0xC400;
	s31 =	simm.s32 $0x0;
	[sflag:s17] =	ssyncadd.s32 $0xFFFFC000  }
.LBB2_18:
0x1e2: {  	v5 =	vmov s29  }
0x1e3: {  	v6 =	vmov s30;
	_ =	sdelay $0x2  }
0x1e4: {  	s0 =	simm.s32 $0x0  }
0x1e5: {  	v7 =	vld.idx.msk [tilespmem:v5+s0+$0x4000 ss:$0x1], $0xffff  }
0x1e6: {  	v8 =	vld.idx.msk [tilespmem:v6+s0+$0x4000 ss:$0x1], $0xffff  }
0x1e7: {  	v9 =	vld.idx.msk [tilespmem:v5+s0+$0x4010 ss:$0x1], $0xffff  }
0x1e8: {  	v10 =	vld.idx.msk [tilespmem:v6+s0+$0x4010 ss:$0x1], $0xffff  }
0x1e9: {  	v11 =	vld.idx.msk [tilespmem:v5+s0+$0x4020 ss:$0x1], $0xffff  }
0x1ea: {  	v12 =	vld.idx.msk [tilespmem:v6+s0+$0x4020 ss:$0x1], $0xffff  }
0x1eb: {  	v13 =	vld.idx.msk [tilespmem:v5+s0+$0x4030 ss:$0x1], $0xffff  }
0x1ec: {  	v14 =	vld.idx.msk [tilespmem:v6+s0+$0x4030 ss:$0x1], $0xffff  }
0x1ed: {  	v15 =	vld.idx.msk [tilespmem:v5+s0+$0x4040 ss:$0x1], $0xffff  }
0x1ee: {  	v16 =	vld.idx.msk [tilespmem:v6+s0+$0x4040 ss:$0x1], $0xffff  }
0x1ef: {  	v17 =	vld.idx.msk [tilespmem:v5+s0+$0x4050 ss:$0x1], $0xffff  }
0x1f0: {  	v18 =	vld.idx.msk [tilespmem:v6+s0+$0x4050 ss:$0x1], $0xffff  }
0x1f1: {  	v19 =	vld.idx.msk [tilespmem:v5+s0+$0x4060 ss:$0x1], $0xffff  }
0x1f2: {  	v20 =	vld.idx.msk [tilespmem:v6+s0+$0x4060 ss:$0x1], $0xffff  }
0x1f3: {  	v21 =	vld.idx.msk [tilespmem:v5+s0+$0x4070 ss:$0x1], $0xffff  }
0x1f4: {  	s3 =	simm.s32 $0x80;
	v7 =	vmul.f32 v8, v7;
	v8 =	vmul.f32 v10, v9;
	v9 =	vld.idx.msk [tilespmem:v6+s0+$0x4070 ss:$0x1], $0xffff  }
0x1f5: {  	v10 =	vld.idx.msk [tilespmem:v5+s3+$0x4000 ss:$0x1], $0xffff  }
0x1f6: {  	v7 =	vadd.f32 v8, v7;
	v8 =	vmul.f32 v12, v11;
	v11 =	vld.idx.msk [tilespmem:v6+s3+$0x4000 ss:$0x1], $0xffff  }
0x1f7: {  	v12 =	vld.idx.msk [tilespmem:v5+s3+$0x4010 ss:$0x1], $0xffff  }
0x1f8: {  	v7 =	vadd.f32 v8, v7;
	v8 =	vmul.f32 v14, v13;
	v13 =	vld.idx.msk [tilespmem:v6+s3+$0x4010 ss:$0x1], $0xffff  }
0x1f9: {  	v14 =	vld.idx.msk [tilespmem:v5+s3+$0x4020 ss:$0x1], $0xffff  }
0x1fa: {  	v7 =	vadd.f32 v8, v7;
	v8 =	vmul.f32 v16, v15;
	v15 =	vld.idx.msk [tilespmem:v6+s3+$0x4020 ss:$0x1], $0xffff  }
0x1fb: {  	v16 =	vld.idx.msk [tilespmem:v5+s3+$0x4030 ss:$0x1], $0xffff  }
0x1fc: {  	v7 =	vadd.f32 v8, v7;
	v8 =	vmul.f32 v18, v17;
	v17 =	vld.idx.msk [tilespmem:v6+s3+$0x4030 ss:$0x1], $0xffff  }
0x1fd: {  	v10 =	vmul.f32 v11, v10;
	v18 =	vld.idx.msk [tilespmem:v5+s3+$0x4040 ss:$0x1], $0xffff  }
0x1fe: {  	v11 =	vmul.f32 v13, v12;
	v12 =	vld.idx.msk [tilespmem:v5+s3+$0x4050 ss:$0x1], $0xffff;
	v7 =	vadd.f32 v8, v7;
	v8 =	vmul.f32 v20, v19  }
0x1ff: {  	v9 =	vmul.f32 v9, v21;
	v19 =	vld.idx.msk [tilespmem:v6+s3+$0x4040 ss:$0x1], $0xffff  }
0x200: {  	v13 =	vld.idx.msk [tilespmem:v5+s3+$0x4060 ss:$0x1], $0xffff;
	v10 =	vadd.f32 v11, v10;
	v11 =	vmul.f32 v15, v14;
	v7 =	vadd.f32 v8, v7  }
0x201: {  	v8 =	vld.idx.msk [tilespmem:v6+s3+$0x4050 ss:$0x1], $0xffff  }
0x202: {  	v14 =	vld.idx.msk [tilespmem:v6+s3+$0x4060 ss:$0x1], $0xffff;
	v7 =	vadd.f32 v9, v7;
	v9 =	vadd.f32 v11, v10;
	v10 =	vmul.f32 v17, v16  }
0x203: {  	v15 =	vld.idx.msk [tilespmem:v6+s3+$0x4070 ss:$0x1], $0xffff  }
0x204: {  	s24 =	simm.s32 $0x100;
	v11 =	vld.idx.msk [tilespmem:v5+s3+$0x4070 ss:$0x1], $0xffff;
	v16 =	vperm.xlane v7, v0;
	v9 =	vadd.f32 v10, v9;
	v10 =	vmul.f32 v19, v18  }
0x205: {  	v17 =	vld.idx.msk [tilespmem:v5+s24+$0x4000 ss:$0x1], $0xffff  }
0x206: {  	v18 =	vld.idx.msk [tilespmem:v6+s24+$0x4000 ss:$0x1], $0xffff;
	v8 =	vmul.f32 v8, v12;
	v7 =	vadd.f32 v7, v16;
	v9 =	vadd.f32 v10, v9  }
0x207: {  	v12 =	vld.idx.msk [tilespmem:v6+s24+$0x4010 ss:$0x1], $0xffff  }
0x208: {  	v10 =	vld.idx.msk [tilespmem:v5+s24+$0x4010 ss:$0x1], $0xffff;
	v16 =	vperm.xlane v7, v1;
	v8 =	vadd.f32 v8, v9;
	v9 =	vmul.f32 v14, v13  }
0x209: {  	v13 =	vld.idx.msk [tilespmem:v5+s24+$0x4020 ss:$0x1], $0xffff  }
0x20a: {  	v14 =	vld.idx.msk [tilespmem:v6+s24+$0x4020 ss:$0x1], $0xffff;
	v7 =	vadd.f32 v7, v16;
	v8 =	vadd.f32 v9, v8;
	v9 =	vmul.f32 v15, v11  }
0x20b: {  	v11 =	vld.idx.msk [tilespmem:v5+s24+$0x4030 ss:$0x1], $0xffff  }
0x20c: {  	v15 =	vld.idx.msk [tilespmem:v6+s24+$0x4030 ss:$0x1], $0xffff;
	v16 =	vperm.xlane v7, v2;
	v8 =	vadd.f32 v9, v8  }
0x20d: {  	v19 =	vld.idx.msk [tilespmem:v5+s24+$0x4040 ss:$0x1], $0xffff;
	v10 =	vmul.f32 v12, v10;
	v9 =	vmul.f32 v18, v17  }
0x20e: {  	v12 =	vld.idx.msk [tilespmem:v6+s24+$0x4040 ss:$0x1], $0xffff;
	v7 =	vadd.f32 v7, v16;
	v16 =	vperm.xlane v8, v0  }
0x20f: {  	v17 =	vld.idx.msk [tilespmem:v5+s24+$0x4050 ss:$0x1], $0xffff;
	v9 =	vadd.f32 v10, v9  }
0x210: {  	v10 =	vmul.f32 v14, v13;
	v13 =	vld.idx.msk [tilespmem:v6+s24+$0x4050 ss:$0x1], $0xffff;
	v14 =	vperm.xlane v7, v3;
	v16 =	vadd.f32 v8, v16  }
0x211: {  	v11 =	vmul.f32 v15, v11;
	v8 =	vld.idx.msk [tilespmem:v5+s24+$0x4060 ss:$0x1], $0xffff  }
0x212: {  	v18 =	vadd.f32 v10, v9;
	v10 =	vld.idx.msk [tilespmem:v6+s24+$0x4060 ss:$0x1], $0xffff;
	v7 =	vadd.f32 v7, v14;
	v14 =	vperm.xlane v16, v1  }
0x213: {  	v15 =	vmov s28;
	v9 =	vld.idx.msk [tilespmem:v5+s24+$0x4070 ss:$0x1], $0xffff  }
0x214: {  	s3 =	simm.s32 $0x180;
	v19 =	vmul.f32 v12, v19;
	v12 =	vld.idx.msk [tilespmem:v6+s24+$0x4070 ss:$0x1], $0xffff;
	v18 =	vadd.f32 v11, v18;
	v11 =	vadd.f32 v16, v14  }
0x215: {  	v20 =	vimm.f32 $0.0e+00;
	vm0 =	veq.s32 v15, v4;
	v15 =	vld.idx.msk [tilespmem:v6+s3+$0x4000 ss:$0x1], $0xffff  }
0x216: {  	v14 =	vld.idx.msk [tilespmem:v5+s3+$0x4000 ss:$0x1], $0xffff;
	v16 =	vadd.f32 v19, v18;
	v18 =	vmul.f32 v13, v17;
	v13 =	vperm.xlane v11, v2  }
0x217: {  	s14 =	simm.s32 $0x800;
	s0 =	simm.s32 $0x0;
	v7 =	vsel vm0, v7, v20;
	v17 =	vld.idx.msk [tilespmem:v5+s3+$0x4010 ss:$0x1], $0xffff  }
.LBB2_19:
0x218: {  	p0 =	sne.s32 s14, $0x1E00;
	v19 =	vld.idx.msk [tilespmem:v6+s3+$0x4010 ss:$0x1], $0xffff;
	v16 =	vadd.f32 v18, v16;
	v8 =	vmul.f32 v10, v8;
	v10 =	vadd.f32 v11, v13  }
0x219: {  	v11 =	vld.idx.msk [tilespmem:v5+s3+$0x4020 ss:$0x1], $0xffff  }
0x21a: {  	v9 =	vmul.f32 v12, v9;
	v13 =	vld.idx.msk [tilespmem:v6+s3+$0x4020 ss:$0x1], $0xffff;
	v8 =	vadd.f32 v8, v16;
	v12 =	vperm.xlane v10, v3  }
0x21b: {  	s0 =	sadd.s32 $0x1, s0;
	v16 =	vld.idx.msk [tilespmem:v5+s3+$0x4030 ss:$0x1], $0xffff  }
0x21c: {  	v18 =	vld.idx.msk [tilespmem:v6+s3+$0x4030 ss:$0x1], $0xffff;
	v8 =	vadd.f32 v9, v8;
	v9 =	vadd.f32 v10, v12;
	v10 =	vmov s0  }
0x21d: {  	v12 =	vmul.f32 v15, v14;
	v14 =	vld.idx.msk [tilespmem:v5+s3+$0x4040 ss:$0x1], $0xffff;
	vm0 =	veq.s32 v10, v4  }
0x21e: {  	v10 =	vmul.f32 v19, v17;
	v15 =	vld.idx.msk [tilespmem:v6+s3+$0x4040 ss:$0x1], $0xffff;
	v17 =	vperm.xlane v8, v0;
	v7 =	vsel vm0, v9, v7  }
0x21f: {  	v19 =	vld.idx.msk [tilespmem:v5+s3+$0x4050 ss:$0x1], $0xffff  }
0x220: {  	v9 =	vadd.f32 v10, v12;
	v10 =	vmul.f32 v13, v11;
	v13 =	vld.idx.msk [tilespmem:v6+s3+$0x4050 ss:$0x1], $0xffff;
	v11 =	vadd.f32 v8, v17  }
0x221: {  	v8 =	vld.idx.msk [tilespmem:v5+s3+$0x4060 ss:$0x1], $0xffff  }
0x222: {  	v12 =	vadd.f32 v10, v9;
	v16 =	vmul.f32 v18, v16;
	v10 =	vld.idx.msk [tilespmem:v6+s3+$0x4060 ss:$0x1], $0xffff;
	v17 =	vperm.xlane v11, v1  }
.Ltmp8:
0x223: {  	v9 =	vld.idx.msk [tilespmem:v5+s3+$0x4070 ss:$0x1], $0xffff;
	(pc) =	sbr.rel @p0 .LBB2_19-.Ltmp8, $4  }
0x224: {  	v16 =	vadd.f32 v16, v12;
	v18 =	vmul.f32 v15, v14;
	v12 =	vld.idx.msk [tilespmem:v6+s3+$0x4070 ss:$0x1], $0xffff;
	s3 =	sshra.s32 s14, $0x2;
	v11 =	vadd.f32 v11, v17  }
0x225: {  	v14 =	vld.idx.msk [tilespmem:v5+s3+$0x4000 ss:$0x1], $0xffff  }
0x226: {  	v16 =	vadd.f32 v18, v16;
	v18 =	vmul.f32 v13, v19;
	v15 =	vld.idx.msk [tilespmem:v6+s3+$0x4000 ss:$0x1], $0xffff;
	v13 =	vperm.xlane v11, v2  }
0x227: {  	s14 =	sadd.s32 $0x200, s14;
	v17 =	vld.idx.msk [tilespmem:v5+s3+$0x4010 ss:$0x1], $0xffff  }
0x228: {  	_ =	sdelay $0x3  }
0x229: {  	v19 =	vld.idx.msk [tilespmem:v6+s3+$0x4010 ss:$0x1], $0xffff  }
0x22a: {  	v20 =	vld.idx.msk [tilespmem:v5+s3+$0x4020 ss:$0x1], $0xffff  }
0x22b: {  	v21 =	vld.idx.msk [tilespmem:v6+s3+$0x4020 ss:$0x1], $0xffff  }
0x22c: {  	v22 =	vld.idx.msk [tilespmem:v5+s3+$0x4030 ss:$0x1], $0xffff  }
0x22d: {  	v23 =	vld.idx.msk [tilespmem:v6+s3+$0x4030 ss:$0x1], $0xffff  }
0x22e: {  	v46 =	vld.idx.msk [tilespmem:v5+s3+$0x4040 ss:$0x1], $0xffff;
	v14 =	vmul.f32 v15, v14;
	v17 =	vmul.f32 v19, v17  }
0x22f: {  	v47 =	vld.idx.msk [tilespmem:v6+s3+$0x4040 ss:$0x1], $0xffff  }
0x230: {  	v48 =	vld.idx.msk [tilespmem:v5+s3+$0x4050 ss:$0x1], $0xffff;
	v20 =	vmul.f32 v21, v20;
	v14 =	vadd.f32 v17, v14  }
0x231: {  	v49 =	vld.idx.msk [tilespmem:v6+s3+$0x4050 ss:$0x1], $0xffff  }
0x232: {  	v50 =	vld.idx.msk [tilespmem:v5+s3+$0x4060 ss:$0x1], $0xffff;
	v22 =	vmul.f32 v23, v22;
	v14 =	vadd.f32 v20, v14  }
0x233: {  	v51 =	vld.idx.msk [tilespmem:v6+s3+$0x4060 ss:$0x1], $0xffff  }
0x234: {  	v5 =	vld.idx.msk [tilespmem:v5+s3+$0x4070 ss:$0x1], $0xffff;
	v15 =	vmul.f32 v47, v46;
	v14 =	vadd.f32 v22, v14  }
0x235: {  	v6 =	vld.idx.msk [tilespmem:v6+s3+$0x4070 ss:$0x1], $0xffff  }
0x236: {  	v52 =	vmul.f32 v49, v48;
	v14 =	vadd.f32 v15, v14  }
0x237: {  	v16 =	vadd.f32 v18, v16;
	v8 =	vmul.f32 v10, v8  }
0x238: {  	v54 =	vmul.f32 v51, v50;
	v53 =	vadd.f32 v52, v14  }
0x239: {  	v9 =	vmul.f32 v12, v9;
	v8 =	vadd.f32 v8, v16  }
0x23a: {  	v5 =	vmul.f32 v6, v5;
	v10 =	vadd.f32 v54, v53  }
0x23b: {  	v6 =	vadd.f32 v9, v8  }
0x23c: {  	v5 =	vadd.f32 v5, v10  }
0x23d: {  	v8 =	vperm.xlane v6, v0  }
0x23e: {  	v55 =	vperm.xlane v5, v0  }
0x23f: {  	v6 =	vadd.f32 v6, v8  }
0x240: {  	v5 =	vadd.f32 v5, v55  }
0x241: {  	v8 =	vperm.xlane v6, v1  }
0x242: {  	v9 =	vperm.xlane v5, v1  }
0x243: {  	v6 =	vadd.f32 v6, v8  }
0x244: {  	v5 =	vadd.f32 v5, v9  }
0x245: {  	v57 =	vperm.xlane v6, v2  }
0x246: {  	v56 =	vadd.f32 v11, v13;
	v58 =	vperm.xlane v5, v2  }
0x247: {  	v6 =	vadd.f32 v6, v57  }
0x248: {  	s0 =	sadd.s32 $0x1, s0;
	v11 =	vperm.xlane v56, v3;
	v5 =	vadd.f32 v5, v58  }
0x249: {  	s24 =	sshll.u32 s31, $0x4;
	s31 =	sadd.s32 $0x1, s31;
	v59 =	vmov s0;
	s0 =	sadd.s32 $0x1, s0;
	v60 =	vperm.xlane v6, v3  }
0x24a: {  	p0 =	sne.s32 s31, $0x8;
	v62 =	vmov s0;
	v8 =	vadd.f32 v56, v11;
	v61 =	vperm.xlane v5, v3  }
.Ltmp9:
0x24b: {  	vm0 =	veq.s32 v59, v4;
	s0 =	sadd.s32 $0x1, s0;
	vm14 =	veq.s32 v62, v4;
	v6 =	vadd.f32 v6, v60;
	(pc) =	sbr.rel @p0 .LBB2_18-.Ltmp9, $4  }
0x24c: {  	v63 =	vmov s0;
	v7 =	vsel vm0, v8, v7;
	v5 =	vadd.f32 v5, v61  }
0x24d: {  	vm15 =	veq.s32 v63, v4;
	v6 =	vsel vm14, v6, v7  }
0x24e: {  	s0 =	sand.u32 $0x3FFFFFF0, s24;
	v5 =	vsel vm15, v5, v6  }
0x24f: {  	s29 =	sadd.s32 $0x800, s29;
	s30 =	sadd.s32 $0x800, s30;
	[tilespmem:s0+$0x18580] =	vst v5  }
0x250: {  	s0 =	simm.s32 $0x18580  }
0x251: {  	[hbm4b:s11+s4] =	stream.linear.scatter [tilespmem:s0], [sflag:$0x4], $0x80, $0x38;
	[tilespmem:$0x18600] =	vst v63  }
0x252: {  	_ =	swait.ge [sflag:s25], $0x20  }
0x253: {  	[sflag:s25] =	ssyncset.done $0x0  }
0x254: {  	[sflag:s25] =	ssyncadd.s32 $0xFFFFFFE0  }
0x255: {  	_ =	swait.ge [sflag:s25], $0x60  }
0x256: {  	[sflag:s25] =	ssyncset.done $0x0  }
0x257: {  	[sflag:s25] =	ssyncadd.s32 $0xFFFFFFA0  }
0x258: {  	_ =	swait.ge [sflag:s25], $0x80  }
0x259: {  	[sflag:s25] =	ssyncset.done $0x0  }
0x25a: {  	s26 =	sadd.s32 $0x1, s26;
	[sflag:s25] =	ssyncadd.s32 $0xFFFFFF80  }
0x25b: {  	p0 =	sne.s32 s26, s15;
	_ =	swait.ge [sflag:s25], $0x80  }
.Ltmp10:
0x25c: {  	[sflag:s25] =	ssyncset.done $0x0;
	(pc) =	sbr.rel @p0 .LBB2_1-.Ltmp10, $4  }
0x25d: {  	[sflag:s25] =	ssyncadd.s32 $0xFFFFFF80  }
0x25e: {  	_ =	swait.ge [sflag:s25], $0x80  }
0x25f: {  	[sflag:s25] =	ssyncset.done $0x0  }
0x260: {  	[sflag:s25] =	ssyncadd.s32 $0xFFFFFF80  }
0x261: {  	_ =	sfence.sel $0x180000  }
0x262: {  	[bflag:$0x0] =	sbarrier.arrive $0xFFFF  }
0x263: {  	_ =	strace $0x90000047  }
0x264: {  	s0 =	stileid.u32;
	[bflag:$0x2] =	sbarrier.arrive $0xFFFF  }
0x265: {  	p0 =	sne.s32 s0, $0x0;
	s0 =	rddreg [dreg:$0x4]  }
0x266: {  	s0 =	sadd.s32 @!p0 $0x100000, s0  }
0x267: {  	[sflag:s0] =	ssyncadd.tile.s32 @!p0 $0x1;
	_ =	shalt  }
.Lfunc_end2:
_tile_overlayer_lowered:
.L_overlay_start_2:
0x268: {  	(tag) =	ssettag $0x2  }
0x269: {  	s0 =	rddreg [dreg:$0x0];
	s2 =	stileid.u32  }
0x26a: {  	s1 =	rddreg [dreg:$0x1];
	p0 =	sne.s32 s2, $0x0  }
0x26b: {  	s3 =	rddreg [dreg:$0x2];
	[bflag:$0x3] =	sbarrier.arrive $0xFFFF;
	s2 =	simm.s32 @!p0 $0x1C05  }
0x26c: {  	[timem:s3], [sflag:s2] =	dma.local @!p0 [hbm:s0], s1  }
0x26d: {  	s0 =	simm.s32 @!p0 $0x5  }
0x26e: {  	_ =	swait.ge @!p0 [sflag:s0], s1  }
0x26f: {  	s1 =	ssub.s32 @!p0 $0x0, s1;
	[sflag:s0] =	ssyncset.done @!p0 $0x0  }
0x270: {  	[sflag:s0] =	ssyncadd.s32 @!p0 s1  }
0x271: {  	[bflag:$0x3] =	sbarrier.arrive $0xFFFF  }
0x272: {  	_ =	shalt  }

</sc_bundles>
